<compile_context>
chip_gen: v7x
topology: tpu7x:2x2x1
jax: 0.10.2.dev20260603
libtpu: 0.0.44.dev20260713+nightly
codegen_flags: <defaults>
</compile_context>

<pallas_src>
import functools

import jax
import jax.numpy as jnp
from jax import lax
from jax.experimental import pallas as pl
from jax.experimental.pallas import tpu as pltpu
from jax.experimental.pallas import tpu_sc as plsc

N = 10000
E = 320000
D = 128
DH = D // 2

NC = 2
NS = 16
BATCH = 80
NBUF = 5
NCH_AGG = E // NS // BATCH
NCH_DEG = NCH_AGG // NC
N_PAD = 10240
RPT = N_PAD // NS

_MESH = plsc.VectorSubcoreMesh(
    core_axis_name="c", subcore_axis_name="s", num_cores=NC, num_subcores=NS)
_SC_PARAMS = pltpu.CompilerParams(use_tc_tiling_on_sc=False)



@functools.partial(
    pl.kernel,
    out_type=jax.ShapeDtypeStruct((N_PAD, D), jnp.float32),
    mesh=_MESH,
    scratch_types=[
        pltpu.VMEM((NCH_DEG, BATCH), jnp.int32),
        pltpu.VMEM((BATCH, 16), jnp.float32),
        pltpu.VMEM_SHARED((N_PAD, 16), jnp.float32),
        pltpu.SemaphoreType.DMA,
    ],
    compiler_params=_SC_PARAMS,
)
def _deg_kernel(dst_hbm, out_hbm, idx_v, const_v, accum, sem):
    c = lax.axis_index("c")
    s = lax.axis_index("s")

    def _fill(i, val):
        const_v[i, :] = jnp.full((16,), val, jnp.float32)
        return val

    lax.fori_loop(0, BATCH, _fill, 0.0)

    def _zero(j, carry):
        pltpu.sync_copy(const_v, accum.at[pl.ds(s * RPT + j * BATCH, BATCH)])
        return carry

    lax.fori_loop(0, RPT // BATCH, _zero, 0)

    lax.fori_loop(0, BATCH, _fill, 1.0)
    pltpu.sync_copy(dst_hbm.at[s, pl.ds(c * NCH_DEG, NCH_DEG)], idx_v)
    plsc.subcore_barrier()

    def _edge(j, carry):
        pltpu.make_async_copy(const_v, accum.at[idx_v.at[j]], sem).start(add=True)
        return carry

    lax.fori_loop(0, NCH_DEG, _edge, 0)

    def _drain(j, carry):
        pltpu.make_async_copy(const_v, accum.at[idx_v.at[0]], sem).wait()
        return carry

    lax.fori_loop(0, NCH_DEG, _drain, 0)
    plsc.subcore_barrier()

    pltpu.sync_copy(accum.at[pl.ds(s * RPT, RPT)],
                    out_hbm.at[pl.ds(s * RPT, RPT), pl.ds(c * DH, 16)])



@functools.partial(
    pl.kernel,
    out_type=jax.ShapeDtypeStruct((N_PAD, D), jnp.float32),
    mesh=_MESH,
    scratch_types=[
        pltpu.VMEM((NCH_AGG, BATCH), jnp.int32),
        pltpu.VMEM((NCH_AGG, BATCH), jnp.int32),
        [pltpu.VMEM((BATCH, DH), jnp.float32) for _ in range(NBUF)],
        pltpu.VMEM((BATCH, DH), jnp.float32),
        pltpu.VMEM_SHARED((N_PAD, DH), jnp.float32),
        [pltpu.SemaphoreType.DMA for _ in range(NBUF)],
        [pltpu.SemaphoreType.DMA for _ in range(NBUF)],
        pltpu.SemaphoreType.DMA,
    ],
    compiler_params=_SC_PARAMS,
)
def _agg_kernel(g_hbm, src0_hbm, src1_hbm, dst_hbm, out_hbm,
                srcv, dstv, bufs, zbuf, accum, gsem, ssem, zsem):
    c = lax.axis_index("c")
    s = lax.axis_index("s")
    gc = g_hbm

    @pl.when(c == 0)
    def _stage0():
        pltpu.sync_copy(src0_hbm.at[s], srcv)

    @pl.when(c == 1)
    def _stage1():
        pltpu.sync_copy(src1_hbm.at[s], srcv)

    pltpu.sync_copy(dst_hbm.at[s], dstv)

    def _gather(j, b):
        pltpu.async_copy(gc.at[srcv.at[j]], bufs[b], gsem[b])

    for b in range(NBUF - 1):
        _gather(b, b)

    def _fill(i, carry):
        def _lane(k, inner):
            zbuf[i, pl.ds(k * 16, 16)] = jnp.zeros((16,), jnp.float32)
            return inner
        return lax.fori_loop(0, DH // 16, _lane, carry)

    lax.fori_loop(0, BATCH, _fill, 0)

    def _zero(j, carry):
        pltpu.make_async_copy(
            zbuf, accum.at[pl.ds(s * RPT + j * BATCH, BATCH)], zsem).start()
        return carry

    lax.fori_loop(0, RPT // BATCH, _zero, 0)

    def _zdrain(j, carry):
        pltpu.make_async_copy(
            zbuf, accum.at[pl.ds(s * RPT, BATCH)], zsem).wait()
        return carry

    lax.fori_loop(0, RPT // BATCH, _zdrain, 0)
    plsc.subcore_barrier()

    def _step(k, carry):
        for b in range(NBUF):
            j = NBUF * k + b
            bn = (b + NBUF - 1) % NBUF
            pltpu.make_async_copy(gc.at[srcv.at[j]], bufs[b], gsem[b]).wait()
            desc = pltpu.make_async_copy(bufs[b], accum.at[dstv.at[j]], ssem[b])
            desc.start(add=True)
            if b == 0:
                @pl.when(k >= 1)
                def _drain():
                    pltpu.make_async_copy(
                        bufs[bn], accum.at[dstv.at[j]], ssem[bn]).wait()
                _gather(j + NBUF - 1, bn)
            else:
                @pl.when(k < NCH_AGG // NBUF - 1)
                def _refill():
                    pltpu.make_async_copy(
                        bufs[bn], accum.at[dstv.at[j]], ssem[bn]).wait()
                    _gather(j + NBUF - 1, bn)
        return carry

    lax.fori_loop(0, NCH_AGG // NBUF, _step, 0)

    for b in range(NBUF):
        pltpu.make_async_copy(bufs[b], accum.at[dstv.at[0]], ssem[b]).wait()
    plsc.subcore_barrier()

    pltpu.sync_copy(accum.at[pl.ds(s * RPT, RPT)],
                    out_hbm.at[pl.ds(s * RPT, RPT), pl.ds(c * DH, DH)])



_BR = 2000


def _dis_from_deg(degb):
    deg = degb[:, 0:1] + degb[:, DH:DH + 1] + 1.0
    return lax.rsqrt(deg)


def _mm1_body(x_ref, w_ref, degb_ref, g_ref):
    dis = _dis_from_deg(degb_ref[...])
    g_ref[...] = dis * jnp.dot(x_ref[...], w_ref[...],
                               preferred_element_type=jnp.float32)


def _mm2_body(agg_ref, g_ref, degb_ref, b_ref, w_ref, g2_ref):
    dis = _dis_from_deg(degb_ref[...])
    z = jax.nn.relu(dis * (agg_ref[...] + g_ref[...]) + b_ref[...])
    g2_ref[...] = dis * jnp.dot(z, w_ref[...],
                                preferred_element_type=jnp.float32)


def _ln_body(agg_ref, g_ref, degb_ref, b_ref, gamma_ref, beta_ref, o_ref):
    dis = _dis_from_deg(degb_ref[...])
    h = dis * (agg_ref[...] + g_ref[...]) + b_ref[...]
    mean = jnp.mean(h, axis=-1, keepdims=True)
    var = jnp.mean((h - mean) ** 2, axis=-1, keepdims=True)
    o_ref[...] = (h - mean) * lax.rsqrt(var + 1e-5) * gamma_ref[...] + beta_ref[...]


_ROWS = pl.BlockSpec((_BR, D), lambda i: (i, 0))
_VEC = pl.BlockSpec((1, D), lambda i: (0, 0))
_FULL = pl.BlockSpec((D, D), lambda i: (0, 0))
_G_SHAPE = jax.ShapeDtypeStruct((N, D), jnp.float32)


def _mm1(x, w1, degp):
    return pl.pallas_call(
        _mm1_body,
        grid=(N // _BR,),
        in_specs=[_ROWS, _FULL, _ROWS],
        out_specs=_ROWS,
        out_shape=_G_SHAPE,
    )(x, w1, degp)


def _mm2(agg, g, degp, b1, w2):
    return pl.pallas_call(
        _mm2_body,
        grid=(N // _BR,),
        in_specs=[_ROWS, _ROWS, _ROWS, _VEC, _FULL],
        out_specs=_ROWS,
        out_shape=_G_SHAPE,
    )(agg, g, degp, b1, w2)


def _ln(agg, g, degp, b2, gamma, beta):
    return pl.pallas_call(
        _ln_body,
        grid=(N // _BR,),
        in_specs=[_ROWS, _ROWS, _ROWS, _VEC, _VEC, _VEC],
        out_specs=_ROWS,
        out_shape=jax.ShapeDtypeStruct((N, D), jnp.float32),
    )(agg, g, degp, b2, gamma, beta)



def kernel(x, edge_index, W1, b1, W2, b2, gamma, beta):
    dst_a = edge_index[1].reshape(NS, NCH_AGG, BATCH)
    src0_a = (lax.optimization_barrier(edge_index)[0] * 2).reshape(
        NS, NCH_AGG, BATCH)
    src1_a = src0_a + 1

    degp = _deg_kernel(dst_a)
    g1 = _mm1(x, W1, degp)
    agg1 = _agg_kernel(g1.reshape(2 * N, DH), src0_a, src1_a, dst_a)
    g2 = _mm2(agg1, g1, degp, b1.reshape(1, D), W2)
    agg2 = _agg_kernel(g2.reshape(2 * N, DH), src0_a, src1_a, dst_a)
    return _ln(agg2, g2, degp, b2.reshape(1, D),
               gamma.reshape(1, D), beta.reshape(1, D))

# --- scband reference (transcript-rebuilt; emitter-appended) ---
"""Pipeline reference for scband-gnnlayer-44770739093651 (READ-ONLY COPY).

The authoritative reference and input builder live on the scoring server;
editing this copy changes nothing except your own understanding.
"""

import jax, jax.numpy as jnp
import numpy as np

N = 10000
E = 320000
D_IN = 128
D_H = 128
D_OUT = 128


def setup_inputs(seed: int = 0) -> dict:
    key = jax.random.key(seed)
    ks = jax.random.split(key, 8)
    x = jax.random.normal(ks[0], (N, D_IN), dtype=jnp.float32)
    edge_index = jax.random.randint(ks[1], (2, E), 0, N, dtype=jnp.int32)
    W1 = jax.random.normal(ks[2], (D_IN, D_H), dtype=jnp.float32) * (1.0 / np.sqrt(D_IN))
    b1 = jnp.zeros((D_H,), dtype=jnp.float32)
    W2 = jax.random.normal(ks[3], (D_H, D_OUT), dtype=jnp.float32) * (1.0 / np.sqrt(D_H))
    b2 = jnp.zeros((D_OUT,), dtype=jnp.float32)
    gamma = jnp.ones((D_OUT,), dtype=jnp.float32)
    beta = jnp.zeros((D_OUT,), dtype=jnp.float32)
    return {"x": x, "edge_index": edge_index, "W1": W1, "b1": b1, "W2": W2, "b2": b2, "gamma": gamma, "beta": beta}


def _gcn_conv(x, edge_index, W, b):
    # Faithful PyG GCNConv: linear transform, add self-loops, symmetric normalization, scatter-add aggregate.
    src = edge_index[0]
    dst = edge_index[1]
    loop = jnp.arange(N, dtype=src.dtype)
    src = jnp.concatenate([src, loop])
    dst = jnp.concatenate([dst, loop])
    deg = jnp.zeros((N,), dtype=x.dtype).at[dst].add(1.0)
    deg_inv_sqrt = jnp.where(deg > 0, 1.0 / jnp.sqrt(deg), 0.0)
    norm = deg_inv_sqrt[src] * deg_inv_sqrt[dst]
    h = x @ W
    msg = h[src] * norm[:, None]
    out = jnp.zeros((N, h.shape[1]), dtype=h.dtype).at[dst].add(msg)
    return out + b


def reference(x, edge_index, W1, b1, W2, b2, gamma, beta):
    h = _gcn_conv(x, edge_index, W1, b1)
    h = jax.nn.relu(h)
    # dropout is identity in eval mode
    h = _gcn_conv(h, edge_index, W2, b2)
    mean = jnp.mean(h, axis=-1, keepdims=True)
    var = jnp.var(h, axis=-1, keepdims=True)
    h = (h - mean) / jnp.sqrt(var + 1e-5) * gamma + beta
    return h

if __name__ == "__main__":
    import jax
    _d = setup_inputs()
    print(jax.jit(kernel)(*tuple(_d.values())))

</pallas_src>

<mosaic_0001>
#map = affine_map<(d0, d1) -> (0, 0)>
#map1 = affine_map<(d0, d1) -> (0, 0, 0)>
module attributes {stable_mosaic.version = 14 : i64} {
  func.func @_agg_kernel(%arg0: i32, %arg1: i32, %arg2: memref<20000x64xf32, #tpu.memory_space<hbm>>, %arg3: memref<16x250x80xi32, #tpu.memory_space<hbm>>, %arg4: memref<16x250x80xi32, #tpu.memory_space<hbm>>, %arg5: memref<16x250x80xi32, #tpu.memory_space<hbm>>, %arg6: memref<10240x128xf32, #tpu.memory_space<hbm>>, %arg7: memref<250x80xi32, #tpu.memory_space<vmem>>, %arg8: memref<250x80xi32, #tpu.memory_space<vmem>>, %arg9: memref<80x64xf32, #tpu.memory_space<vmem>>, %arg10: memref<80x64xf32, #tpu.memory_space<vmem>>, %arg11: memref<80x64xf32, #tpu.memory_space<vmem>>, %arg12: memref<80x64xf32, #tpu.memory_space<vmem>>, %arg13: memref<80x64xf32, #tpu.memory_space<vmem>>, %arg14: memref<80x64xf32, #tpu.memory_space<vmem>>, %arg15: memref<10240x64xf32, #tpu.memory_space<vmem_shared>>, %arg16: memref<!tpu.dma_semaphore, #tpu.memory_space<semaphore_mem>>, %arg17: memref<!tpu.dma_semaphore, #tpu.memory_space<semaphore_mem>>, %arg18: memref<!tpu.dma_semaphore, #tpu.memory_space<semaphore_mem>>, %arg19: memref<!tpu.dma_semaphore, #tpu.memory_space<semaphore_mem>>, %arg20: memref<!tpu.dma_semaphore, #tpu.memory_space<semaphore_mem>>, %arg21: memref<!tpu.dma_semaphore, #tpu.memory_space<semaphore_mem>>, %arg22: memref<!tpu.dma_semaphore, #tpu.memory_space<semaphore_mem>>, %arg23: memref<!tpu.dma_semaphore, #tpu.memory_space<semaphore_mem>>, %arg24: memref<!tpu.dma_semaphore, #tpu.memory_space<semaphore_mem>>, %arg25: memref<!tpu.dma_semaphore, #tpu.memory_space<semaphore_mem>>, %arg26: memref<!tpu.dma_semaphore, #tpu.memory_space<semaphore_mem>>) attributes {dimension_semantics = [#tpu.dimension_semantics<core_parallel>, #tpu.dimension_semantics<subcore_parallel>], iteration_bounds = array<i64: 2, 16>, scalar_prefetch = 0 : i64, scratch_operands = 20 : i64, tpu.core_type = #tpu.core_type<sc_vector_subcore>, window_params = [{transform_indices = #map}, {transform_indices = #map1}, {transform_indices = #map1}, {transform_indices = #map1}, {transform_indices = #map}]} {
    %eq3A = arith.constant 0 : i32
    %eq3A_0 = arith.cmpi eq, %arg0, %eq3A : i32
    %convert_element_type3A = arith.extui %eq3A_0 : i1 to i32
    %cond3A = arith.constant 0 : i32
    %cond3A_1 = arith.cmpi ne, %convert_element_type3A, %cond3A : i32
    scf.if %cond3A_1 {
      "tpu.region"() ({
        %run_scoped3A = tpu.sem_alloc : memref<!tpu.dma_semaphore, #tpu.memory_space<semaphore_mem>>
        %dma_start3A_97 = arith.constant 0 : i32
        %dma_start3A_98 = arith.constant 0 : i32
        %dma_start3A_99 = tpu.memref_slice %arg3[%arg1, %dma_start3A_97, %dma_start3A_98] : memref<16x250x80xi32, #tpu.memory_space<hbm>> -> memref<1x250x80xi32, #tpu.memory_space<hbm>>
        %dma_start3A_100 = tpu.memref_squeeze %dma_start3A_99 : memref<1x250x80xi32, #tpu.memory_space<hbm>> -> memref<250x80xi32, #tpu.memory_space<hbm>>
        %dma_start3A_101 = arith.constant 0 : i32
        %dma_start3A_102 = arith.constant 0 : i32
        %dma_start3A_103 = tpu.memref_slice %arg3[%arg1, %dma_start3A_101, %dma_start3A_102] : memref<16x250x80xi32, #tpu.memory_space<hbm>> -> memref<1x250x80xi32, #tpu.memory_space<hbm>>
        %dma_start3A_104 = tpu.memref_squeeze %dma_start3A_103 : memref<1x250x80xi32, #tpu.memory_space<hbm>> -> memref<250x80xi32, #tpu.memory_space<hbm>>
        tpu.enqueue_dma source(%dma_start3A_104 : memref<250x80xi32, #tpu.memory_space<hbm>>) target(%arg7 : memref<250x80xi32, #tpu.memory_space<vmem>>) target_semaphore(%run_scoped3A : memref<!tpu.dma_semaphore, #tpu.memory_space<semaphore_mem>>)
        %dma_wait3A_105 = arith.constant 0 : i32
        %dma_wait3A_106 = arith.constant 0 : i32
        %dma_wait3A_107 = tpu.memref_slice %arg3[%arg1, %dma_wait3A_105, %dma_wait3A_106] : memref<16x250x80xi32, #tpu.memory_space<hbm>> -> memref<1x250x80xi32, #tpu.memory_space<hbm>>
        %dma_wait3A_108 = tpu.memref_squeeze %dma_wait3A_107 : memref<1x250x80xi32, #tpu.memory_space<hbm>> -> memref<250x80xi32, #tpu.memory_space<hbm>>
        %dma_wait3A_109 = arith.constant 0 : i32
        %dma_wait3A_110 = arith.constant 0 : i32
        %dma_wait3A_111 = tpu.memref_slice %arg3[%arg1, %dma_wait3A_109, %dma_wait3A_110] : memref<16x250x80xi32, #tpu.memory_space<hbm>> -> memref<1x250x80xi32, #tpu.memory_space<hbm>>
        %dma_wait3A_112 = tpu.memref_squeeze %dma_wait3A_111 : memref<1x250x80xi32, #tpu.memory_space<hbm>> -> memref<250x80xi32, #tpu.memory_space<hbm>>
        tpu.wait_dma2 semaphore(%run_scoped3A : memref<!tpu.dma_semaphore, #tpu.memory_space<semaphore_mem>>) src(%dma_wait3A_112 : memref<250x80xi32, #tpu.memory_space<hbm>>) dst(%arg7 : memref<250x80xi32, #tpu.memory_space<vmem>>)
        tpu.yield
      }) : () -> ()
    } else {
    }
    %eq3A_2 = arith.constant 1 : i32
    %eq3A_3 = arith.cmpi eq, %arg0, %eq3A_2 : i32
    %convert_element_type3A_4 = arith.extui %eq3A_3 : i1 to i32
    %cond3A_5 = arith.constant 0 : i32
    %cond3A_6 = arith.cmpi ne, %convert_element_type3A_4, %cond3A_5 : i32
    scf.if %cond3A_6 {
      "tpu.region"() ({
        %run_scoped3A = tpu.sem_alloc : memref<!tpu.dma_semaphore, #tpu.memory_space<semaphore_mem>>
        %dma_start3A_97 = arith.constant 0 : i32
        %dma_start3A_98 = arith.constant 0 : i32
        %dma_start3A_99 = tpu.memref_slice %arg4[%arg1, %dma_start3A_97, %dma_start3A_98] : memref<16x250x80xi32, #tpu.memory_space<hbm>> -> memref<1x250x80xi32, #tpu.memory_space<hbm>>
        %dma_start3A_100 = tpu.memref_squeeze %dma_start3A_99 : memref<1x250x80xi32, #tpu.memory_space<hbm>> -> memref<250x80xi32, #tpu.memory_space<hbm>>
        %dma_start3A_101 = arith.constant 0 : i32
        %dma_start3A_102 = arith.constant 0 : i32
        %dma_start3A_103 = tpu.memref_slice %arg4[%arg1, %dma_start3A_101, %dma_start3A_102] : memref<16x250x80xi32, #tpu.memory_space<hbm>> -> memref<1x250x80xi32, #tpu.memory_space<hbm>>
        %dma_start3A_104 = tpu.memref_squeeze %dma_start3A_103 : memref<1x250x80xi32, #tpu.memory_space<hbm>> -> memref<250x80xi32, #tpu.memory_space<hbm>>
        tpu.enqueue_dma source(%dma_start3A_104 : memref<250x80xi32, #tpu.memory_space<hbm>>) target(%arg7 : memref<250x80xi32, #tpu.memory_space<vmem>>) target_semaphore(%run_scoped3A : memref<!tpu.dma_semaphore, #tpu.memory_space<semaphore_mem>>)
        %dma_wait3A_105 = arith.constant 0 : i32
        %dma_wait3A_106 = arith.constant 0 : i32
        %dma_wait3A_107 = tpu.memref_slice %arg4[%arg1, %dma_wait3A_105, %dma_wait3A_106] : memref<16x250x80xi32, #tpu.memory_space<hbm>> -> memref<1x250x80xi32, #tpu.memory_space<hbm>>
        %dma_wait3A_108 = tpu.memref_squeeze %dma_wait3A_107 : memref<1x250x80xi32, #tpu.memory_space<hbm>> -> memref<250x80xi32, #tpu.memory_space<hbm>>
        %dma_wait3A_109 = arith.constant 0 : i32
        %dma_wait3A_110 = arith.constant 0 : i32
        %dma_wait3A_111 = tpu.memref_slice %arg4[%arg1, %dma_wait3A_109, %dma_wait3A_110] : memref<16x250x80xi32, #tpu.memory_space<hbm>> -> memref<1x250x80xi32, #tpu.memory_space<hbm>>
        %dma_wait3A_112 = tpu.memref_squeeze %dma_wait3A_111 : memref<1x250x80xi32, #tpu.memory_space<hbm>> -> memref<250x80xi32, #tpu.memory_space<hbm>>
        tpu.wait_dma2 semaphore(%run_scoped3A : memref<!tpu.dma_semaphore, #tpu.memory_space<semaphore_mem>>) src(%dma_wait3A_112 : memref<250x80xi32, #tpu.memory_space<hbm>>) dst(%arg7 : memref<250x80xi32, #tpu.memory_space<vmem>>)
        tpu.yield
      }) : () -> ()
    } else {
    }
    "tpu.region"() ({
      %run_scoped3A = tpu.sem_alloc : memref<!tpu.dma_semaphore, #tpu.memory_space<semaphore_mem>>
      %dma_start3A_97 = arith.constant 0 : i32
      %dma_start3A_98 = arith.constant 0 : i32
      %dma_start3A_99 = tpu.memref_slice %arg5[%arg1, %dma_start3A_97, %dma_start3A_98] : memref<16x250x80xi32, #tpu.memory_space<hbm>> -> memref<1x250x80xi32, #tpu.memory_space<hbm>>
      %dma_start3A_100 = tpu.memref_squeeze %dma_start3A_99 : memref<1x250x80xi32, #tpu.memory_space<hbm>> -> memref<250x80xi32, #tpu.memory_space<hbm>>
      %dma_start3A_101 = arith.constant 0 : i32
      %dma_start3A_102 = arith.constant 0 : i32
      %dma_start3A_103 = tpu.memref_slice %arg5[%arg1, %dma_start3A_101, %dma_start3A_102] : memref<16x250x80xi32, #tpu.memory_space<hbm>> -> memref<1x250x80xi32, #tpu.memory_space<hbm>>
      %dma_start3A_104 = tpu.memref_squeeze %dma_start3A_103 : memref<1x250x80xi32, #tpu.memory_space<hbm>> -> memref<250x80xi32, #tpu.memory_space<hbm>>
      tpu.enqueue_dma source(%dma_start3A_104 : memref<250x80xi32, #tpu.memory_space<hbm>>) target(%arg8 : memref<250x80xi32, #tpu.memory_space<vmem>>) target_semaphore(%run_scoped3A : memref<!tpu.dma_semaphore, #tpu.memory_space<semaphore_mem>>)
      %dma_wait3A_105 = arith.constant 0 : i32
      %dma_wait3A_106 = arith.constant 0 : i32
      %dma_wait3A_107 = tpu.memref_slice %arg5[%arg1, %dma_wait3A_105, %dma_wait3A_106] : memref<16x250x80xi32, #tpu.memory_space<hbm>> -> memref<1x250x80xi32, #tpu.memory_space<hbm>>
      %dma_wait3A_108 = tpu.memref_squeeze %dma_wait3A_107 : memref<1x250x80xi32, #tpu.memory_space<hbm>> -> memref<250x80xi32, #tpu.memory_space<hbm>>
      %dma_wait3A_109 = arith.constant 0 : i32
      %dma_wait3A_110 = arith.constant 0 : i32
      %dma_wait3A_111 = tpu.memref_slice %arg5[%arg1, %dma_wait3A_109, %dma_wait3A_110] : memref<16x250x80xi32, #tpu.memory_space<hbm>> -> memref<1x250x80xi32, #tpu.memory_space<hbm>>
      %dma_wait3A_112 = tpu.memref_squeeze %dma_wait3A_111 : memref<1x250x80xi32, #tpu.memory_space<hbm>> -> memref<250x80xi32, #tpu.memory_space<hbm>>
      tpu.wait_dma2 semaphore(%run_scoped3A : memref<!tpu.dma_semaphore, #tpu.memory_space<semaphore_mem>>) src(%dma_wait3A_112 : memref<250x80xi32, #tpu.memory_space<hbm>>) dst(%arg8 : memref<250x80xi32, #tpu.memory_space<vmem>>)
      tpu.yield
    }) : () -> ()
    %dma_start3A = arith.constant 0 : i32
    %dma_start3A_7 = arith.constant 0 : i32
    %dma_start3A_8 = tpu.memref_slice %arg7[%dma_start3A, %dma_start3A_7] : memref<250x80xi32, #tpu.memory_space<vmem>> -> memref<1x80xi32, #tpu.memory_space<vmem>>
    %dma_start3A_9 = tpu.memref_squeeze %dma_start3A_8 : memref<1x80xi32, #tpu.memory_space<vmem>> -> memref<80xi32, #tpu.memory_space<vmem>>
    %dma_start3A_10 = arith.constant 0 : i32
    %dma_start3A_11 = arith.constant 0 : i32
    %dma_start3A_12 = tpu.memref_slice %arg2[%dma_start3A_10, %dma_start3A_11] : memref<20000x64xf32, #tpu.memory_space<hbm>> -> memref<20000x64xf32, #tpu.memory_space<hbm>>
    tpu.enqueue_indirect_dma source(%dma_start3A_12 : memref<20000x64xf32, #tpu.memory_space<hbm>>) target(%arg9 : memref<80x64xf32, #tpu.memory_space<vmem>>) offsets(%dma_start3A_9 : memref<80xi32, #tpu.memory_space<vmem>>) semaphore(%arg16 : memref<!tpu.dma_semaphore, #tpu.memory_space<semaphore_mem>>)
    %dma_start3A_13 = arith.constant 1 : i32
    %dma_start3A_14 = arith.constant 0 : i32
    %dma_start3A_15 = tpu.memref_slice %arg7[%dma_start3A_13, %dma_start3A_14] : memref<250x80xi32, #tpu.memory_space<vmem>> -> memref<1x80xi32, #tpu.memory_space<vmem>>
    %dma_start3A_16 = tpu.memref_squeeze %dma_start3A_15 : memref<1x80xi32, #tpu.memory_space<vmem>> -> memref<80xi32, #tpu.memory_space<vmem>>
    %dma_start3A_17 = arith.constant 0 : i32
    %dma_start3A_18 = arith.constant 0 : i32
    %dma_start3A_19 = tpu.memref_slice %arg2[%dma_start3A_17, %dma_start3A_18] : memref<20000x64xf32, #tpu.memory_space<hbm>> -> memref<20000x64xf32, #tpu.memory_space<hbm>>
    tpu.enqueue_indirect_dma source(%dma_start3A_19 : memref<20000x64xf32, #tpu.memory_space<hbm>>) target(%arg10 : memref<80x64xf32, #tpu.memory_space<vmem>>) offsets(%dma_start3A_16 : memref<80xi32, #tpu.memory_space<vmem>>) semaphore(%arg17 : memref<!tpu.dma_semaphore, #tpu.memory_space<semaphore_mem>>)
    %dma_start3A_20 = arith.constant 2 : i32
    %dma_start3A_21 = arith.constant 0 : i32
    %dma_start3A_22 = tpu.memref_slice %arg7[%dma_start3A_20, %dma_start3A_21] : memref<250x80xi32, #tpu.memory_space<vmem>> -> memref<1x80xi32, #tpu.memory_space<vmem>>
    %dma_start3A_23 = tpu.memref_squeeze %dma_start3A_22 : memref<1x80xi32, #tpu.memory_space<vmem>> -> memref<80xi32, #tpu.memory_space<vmem>>
    %dma_start3A_24 = arith.constant 0 : i32
    %dma_start3A_25 = arith.constant 0 : i32
    %dma_start3A_26 = tpu.memref_slice %arg2[%dma_start3A_24, %dma_start3A_25] : memref<20000x64xf32, #tpu.memory_space<hbm>> -> memref<20000x64xf32, #tpu.memory_space<hbm>>
    tpu.enqueue_indirect_dma source(%dma_start3A_26 : memref<20000x64xf32, #tpu.memory_space<hbm>>) target(%arg11 : memref<80x64xf32, #tpu.memory_space<vmem>>) offsets(%dma_start3A_23 : memref<80xi32, #tpu.memory_space<vmem>>) semaphore(%arg18 : memref<!tpu.dma_semaphore, #tpu.memory_space<semaphore_mem>>)
    %dma_start3A_27 = arith.constant 3 : i32
    %dma_start3A_28 = arith.constant 0 : i32
    %dma_start3A_29 = tpu.memref_slice %arg7[%dma_start3A_27, %dma_start3A_28] : memref<250x80xi32, #tpu.memory_space<vmem>> -> memref<1x80xi32, #tpu.memory_space<vmem>>
    %dma_start3A_30 = tpu.memref_squeeze %dma_start3A_29 : memref<1x80xi32, #tpu.memory_space<vmem>> -> memref<80xi32, #tpu.memory_space<vmem>>
    %dma_start3A_31 = arith.constant 0 : i32
    %dma_start3A_32 = arith.constant 0 : i32
    %dma_start3A_33 = tpu.memref_slice %arg2[%dma_start3A_31, %dma_start3A_32] : memref<20000x64xf32, #tpu.memory_space<hbm>> -> memref<20000x64xf32, #tpu.memory_space<hbm>>
    tpu.enqueue_indirect_dma source(%dma_start3A_33 : memref<20000x64xf32, #tpu.memory_space<hbm>>) target(%arg12 : memref<80x64xf32, #tpu.memory_space<vmem>>) offsets(%dma_start3A_30 : memref<80xi32, #tpu.memory_space<vmem>>) semaphore(%arg19 : memref<!tpu.dma_semaphore, #tpu.memory_space<semaphore_mem>>)
    %scan3A = arith.constant 0 : i32
    %scan3A_34 = arith.constant 0 : i32
    %scan3A_35 = arith.constant 80 : i32
    %scan3A_36 = arith.addi %scan3A_34, %scan3A_35 : i32
    %scan3A_37 = arith.constant 1 : i32
    scf.for %scan3A_97 = %scan3A_34 to %scan3A_36 step %scan3A_37  : i32 {
      %scan3A_98 = arith.constant 0 : i32
      %scan3A_99 = arith.constant 4 : i32
      %scan3A_100 = arith.addi %scan3A_98, %scan3A_99 : i32
      %scan3A_101 = arith.constant 1 : i32
      scf.for %scan3A_103 = %scan3A_98 to %scan3A_100 step %scan3A_101  : i32 {
        %broadcast_in_dim3A = arith.constant 0.000000e+00 : f32
        %broadcast_in_dim3A_104 = vector.broadcast %broadcast_in_dim3A : f32 to vector<16xf32>
        %mul3A_105 = arith.constant 16 : i32
        %mul3A_106 = arith.muli %scan3A_103, %mul3A_105 : i32
        %swap3A = arith.index_cast %scan3A_97 : i32 to index
        %swap3A_107 = arith.index_cast %mul3A_106 : i32 to index
        %swap3A_108 = tpu.vector_load %arg14[%swap3A, %swap3A_107] {strides = array<i32>} : memref<80x64xf32, #tpu.memory_space<vmem>>, vector<1x16xf32>,
        %swap3A_109 = vector.shape_cast %swap3A_108 : vector<1x16xf32> to vector<16xf32>
        %swap3A_110 = vector.shape_cast %broadcast_in_dim3A_104 : vector<16xf32> to vector<1x16xf32>
        tpu.vector_store %arg14[%swap3A, %swap3A_107], %swap3A_110 {strides = array<i32>} : memref<80x64xf32, #tpu.memory_space<vmem>>, vector<1x16xf32>,
      }
      %scan3A_102 = arith.constant 4 : i32
    }
    %scan3A_38 = arith.constant 80 : i32
    %scan3A_39 = arith.constant 0 : i32
    %scan3A_40 = arith.constant 0 : i32
    %scan3A_41 = arith.constant 8 : i32
    %scan3A_42 = arith.addi %scan3A_40, %scan3A_41 : i32
    %scan3A_43 = arith.constant 1 : i32
    scf.for %scan3A_97 = %scan3A_40 to %scan3A_42 step %scan3A_43  : i32 {
      %mul3A_98 = arith.constant 640 : i32
      %mul3A_99 = arith.muli %arg1, %mul3A_98 : i32
      %mul3A_100 = arith.constant 80 : i32
      %mul3A_101 = arith.muli %scan3A_97, %mul3A_100 : i32
      %add3A = arith.addi %mul3A_99, %mul3A_101 : i32
      %dma_start3A_102 = arith.constant 0 : i32
      %dma_start3A_103 = tpu.memref_slice %arg15[%add3A, %dma_start3A_102] : memref<10240x64xf32, #tpu.memory_space<vmem_shared>> -> memref<80x64xf32, #tpu.memory_space<vmem_shared>>
      %dma_start3A_104 = arith.constant 0 : i32
      %dma_start3A_105 = tpu.memref_slice %arg15[%add3A, %dma_start3A_104] : memref<10240x64xf32, #tpu.memory_space<vmem_shared>> -> memref<80x64xf32, #tpu.memory_space<vmem_shared>>
      tpu.enqueue_dma source(%arg14 : memref<80x64xf32, #tpu.memory_space<vmem>>) target(%dma_start3A_105 : memref<80x64xf32, #tpu.memory_space<vmem_shared>>) target_semaphore(%arg26 : memref<!tpu.dma_semaphore, #tpu.memory_space<semaphore_mem>>)
    }
    %scan3A_44 = arith.constant 8 : i32
    %scan3A_45 = arith.constant 0 : i32
    %scan3A_46 = arith.constant 0 : i32
    %scan3A_47 = arith.constant 8 : i32
    %scan3A_48 = arith.addi %scan3A_46, %scan3A_47 : i32
    %scan3A_49 = arith.constant 1 : i32
    scf.for %scan3A_97 = %scan3A_46 to %scan3A_48 step %scan3A_49  : i32 {
      %mul3A_98 = arith.constant 640 : i32
      %mul3A_99 = arith.muli %arg1, %mul3A_98 : i32
      %dma_wait3A_100 = arith.constant 0 : i32
      %dma_wait3A_101 = tpu.memref_slice %arg15[%mul3A_99, %dma_wait3A_100] : memref<10240x64xf32, #tpu.memory_space<vmem_shared>> -> memref<80x64xf32, #tpu.memory_space<vmem_shared>>
      %dma_wait3A_102 = arith.constant 0 : i32
      %dma_wait3A_103 = tpu.memref_slice %arg15[%mul3A_99, %dma_wait3A_102] : memref<10240x64xf32, #tpu.memory_space<vmem_shared>> -> memref<80x64xf32, #tpu.memory_space<vmem_shared>>
      tpu.wait_dma2 semaphore(%arg26 : memref<!tpu.dma_semaphore, #tpu.memory_space<semaphore_mem>>) src(%arg14 : memref<80x64xf32, #tpu.memory_space<vmem>>) dst(%dma_wait3A_103 : memref<80x64xf32, #tpu.memory_space<vmem_shared>>)
    }
    %scan3A_50 = arith.constant 8 : i32
    %barrier3A = arith.constant 0 : index
    tpu.barrier barrier_id(%barrier3A)
    %scan3A_51 = arith.constant 0 : i32
    %scan3A_52 = arith.constant 0 : i32
    %scan3A_53 = arith.constant 50 : i32
    %scan3A_54 = arith.addi %scan3A_52, %scan3A_53 : i32
    %scan3A_55 = arith.constant 1 : i32
    scf.for %scan3A_97 = %scan3A_52 to %scan3A_54 step %scan3A_55  : i32 {
      %mul3A_98 = arith.constant 5 : i32
      %mul3A_99 = arith.muli %mul3A_98, %scan3A_97 : i32
      %add3A = arith.constant 0 : i32
      %add3A_100 = arith.addi %mul3A_99, %add3A : i32
      %dma_wait3A_101 = arith.constant 0 : i32
      %dma_wait3A_102 = tpu.memref_slice %arg7[%add3A_100, %dma_wait3A_101] : memref<250x80xi32, #tpu.memory_space<vmem>> -> memref<1x80xi32, #tpu.memory_space<vmem>>
      %dma_wait3A_103 = tpu.memref_squeeze %dma_wait3A_102 : memref<1x80xi32, #tpu.memory_space<vmem>> -> memref<80xi32, #tpu.memory_space<vmem>>
      %dma_wait3A_104 = arith.constant 0 : i32
      %dma_wait3A_105 = arith.constant 0 : i32
      %dma_wait3A_106 = tpu.memref_slice %arg2[%dma_wait3A_104, %dma_wait3A_105] : memref<20000x64xf32, #tpu.memory_space<hbm>> -> memref<20000x64xf32, #tpu.memory_space<hbm>>
      tpu.wait_indirect_dma semaphore(%arg16 : memref<!tpu.dma_semaphore, #tpu.memory_space<semaphore_mem>>) src(%dma_wait3A_106 : memref<20000x64xf32, #tpu.memory_space<hbm>>) dst(%arg9 : memref<80x64xf32, #tpu.memory_space<vmem>>)
      %dma_start3A_107 = arith.constant 0 : i32
      %dma_start3A_108 = tpu.memref_slice %arg8[%add3A_100, %dma_start3A_107] : memref<250x80xi32, #tpu.memory_space<vmem>> -> memref<1x80xi32, #tpu.memory_space<vmem>>
      %dma_start3A_109 = tpu.memref_squeeze %dma_start3A_108 : memref<1x80xi32, #tpu.memory_space<vmem>> -> memref<80xi32, #tpu.memory_space<vmem>>
      %dma_start3A_110 = arith.constant 0 : i32
      %dma_start3A_111 = arith.constant 0 : i32
      %dma_start3A_112 = tpu.memref_slice %arg15[%dma_start3A_110, %dma_start3A_111] : memref<10240x64xf32, #tpu.memory_space<vmem_shared>> -> memref<10240x64xf32, #tpu.memory_space<vmem_shared>>
      tpu.enqueue_indirect_dma source(%arg9 : memref<80x64xf32, #tpu.memory_space<vmem>>) target(%dma_start3A_112 : memref<10240x64xf32, #tpu.memory_space<vmem_shared>>) offsets(%dma_start3A_109 : memref<80xi32, #tpu.memory_space<vmem>>) semaphore(%arg21 : memref<!tpu.dma_semaphore, #tpu.memory_space<semaphore_mem>>) {add = true}
      %ge3A = arith.constant 1 : i32
      %ge3A_113 = arith.cmpi sge, %scan3A_97, %ge3A : i32
      %convert_element_type3A_114 = arith.extui %ge3A_113 : i1 to i32
      %cond3A_115 = arith.constant 0 : i32
      %cond3A_116 = arith.cmpi ne, %convert_element_type3A_114, %cond3A_115 : i32
      scf.if %cond3A_116 {
        %dma_wait3A_209 = arith.constant 0 : i32
        %dma_wait3A_210 = tpu.memref_slice %arg8[%add3A_100, %dma_wait3A_209] : memref<250x80xi32, #tpu.memory_space<vmem>> -> memref<1x80xi32, #tpu.memory_space<vmem>>
        %dma_wait3A_211 = tpu.memref_squeeze %dma_wait3A_210 : memref<1x80xi32, #tpu.memory_space<vmem>> -> memref<80xi32, #tpu.memory_space<vmem>>
        %dma_wait3A_212 = arith.constant 0 : i32
        %dma_wait3A_213 = arith.constant 0 : i32
        %dma_wait3A_214 = tpu.memref_slice %arg15[%dma_wait3A_212, %dma_wait3A_213] : memref<10240x64xf32, #tpu.memory_space<vmem_shared>> -> memref<10240x64xf32, #tpu.memory_space<vmem_shared>>
        tpu.wait_indirect_dma semaphore(%arg25 : memref<!tpu.dma_semaphore, #tpu.memory_space<semaphore_mem>>) src(%arg13 : memref<80x64xf32, #tpu.memory_space<vmem>>) dst(%dma_wait3A_214 : memref<10240x64xf32, #tpu.memory_space<vmem_shared>>)
      } else {
      }
      %add3A_117 = arith.constant 5 : i32
      %add3A_118 = arith.addi %add3A_100, %add3A_117 : i32
      %sub3A = arith.constant 1 : i32
      %sub3A_119 = arith.subi %add3A_118, %sub3A : i32
      %dma_start3A_120 = arith.constant 0 : i32
      %dma_start3A_121 = tpu.memref_slice %arg7[%sub3A_119, %dma_start3A_120] : memref<250x80xi32, #tpu.memory_space<vmem>> -> memref<1x80xi32, #tpu.memory_space<vmem>>
      %dma_start3A_122 = tpu.memref_squeeze %dma_start3A_121 : memref<1x80xi32, #tpu.memory_space<vmem>> -> memref<80xi32, #tpu.memory_space<vmem>>
      %dma_start3A_123 = arith.constant 0 : i32
      %dma_start3A_124 = arith.constant 0 : i32
      %dma_start3A_125 = tpu.memref_slice %arg2[%dma_start3A_123, %dma_start3A_124] : memref<20000x64xf32, #tpu.memory_space<hbm>> -> memref<20000x64xf32, #tpu.memory_space<hbm>>
      tpu.enqueue_indirect_dma source(%dma_start3A_125 : memref<20000x64xf32, #tpu.memory_space<hbm>>) target(%arg13 : memref<80x64xf32, #tpu.memory_space<vmem>>) offsets(%dma_start3A_122 : memref<80xi32, #tpu.memory_space<vmem>>) semaphore(%arg20 : memref<!tpu.dma_semaphore, #tpu.memory_space<semaphore_mem>>)
      %mul3A_126 = arith.constant 5 : i32
      %mul3A_127 = arith.muli %mul3A_126, %scan3A_97 : i32
      %add3A_128 = arith.constant 1 : i32
      %add3A_129 = arith.addi %mul3A_127, %add3A_128 : i32
      %dma_wait3A_130 = arith.constant 0 : i32
      %dma_wait3A_131 = tpu.memref_slice %arg7[%add3A_129, %dma_wait3A_130] : memref<250x80xi32, #tpu.memory_space<vmem>> -> memref<1x80xi32, #tpu.memory_space<vmem>>
      %dma_wait3A_132 = tpu.memref_squeeze %dma_wait3A_131 : memref<1x80xi32, #tpu.memory_space<vmem>> -> memref<80xi32, #tpu.memory_space<vmem>>
      %dma_wait3A_133 = arith.constant 0 : i32
      %dma_wait3A_134 = arith.constant 0 : i32
      %dma_wait3A_135 = tpu.memref_slice %arg2[%dma_wait3A_133, %dma_wait3A_134] : memref<20000x64xf32, #tpu.memory_space<hbm>> -> memref<20000x64xf32, #tpu.memory_space<hbm>>
      tpu.wait_indirect_dma semaphore(%arg17 : memref<!tpu.dma_semaphore, #tpu.memory_space<semaphore_mem>>) src(%dma_wait3A_135 : memref<20000x64xf32, #tpu.memory_space<hbm>>) dst(%arg10 : memref<80x64xf32, #tpu.memory_space<vmem>>)
      %dma_start3A_136 = arith.constant 0 : i32
      %dma_start3A_137 = tpu.memref_slice %arg8[%add3A_129, %dma_start3A_136] : memref<250x80xi32, #tpu.memory_space<vmem>> -> memref<1x80xi32, #tpu.memory_space<vmem>>
      %dma_start3A_138 = tpu.memref_squeeze %dma_start3A_137 : memref<1x80xi32, #tpu.memory_space<vmem>> -> memref<80xi32, #tpu.memory_space<vmem>>
      %dma_start3A_139 = arith.constant 0 : i32
      %dma_start3A_140 = arith.constant 0 : i32
      %dma_start3A_141 = tpu.memref_slice %arg15[%dma_start3A_139, %dma_start3A_140] : memref<10240x64xf32, #tpu.memory_space<vmem_shared>> -> memref<10240x64xf32, #tpu.memory_space<vmem_shared>>
      tpu.enqueue_indirect_dma source(%arg10 : memref<80x64xf32, #tpu.memory_space<vmem>>) target(%dma_start3A_141 : memref<10240x64xf32, #tpu.memory_space<vmem_shared>>) offsets(%dma_start3A_138 : memref<80xi32, #tpu.memory_space<vmem>>) semaphore(%arg22 : memref<!tpu.dma_semaphore, #tpu.memory_space<semaphore_mem>>) {add = true}
      %lt3A = arith.constant 49 : i32
      %lt3A_142 = arith.cmpi slt, %scan3A_97, %lt3A : i32
      %convert_element_type3A_143 = arith.extui %lt3A_142 : i1 to i32
      %cond3A_144 = arith.constant 0 : i32
      %cond3A_145 = arith.cmpi ne, %convert_element_type3A_143, %cond3A_144 : i32
      scf.if %cond3A_145 {
        %dma_wait3A_209 = arith.constant 0 : i32
        %dma_wait3A_210 = tpu.memref_slice %arg8[%add3A_129, %dma_wait3A_209] : memref<250x80xi32, #tpu.memory_space<vmem>> -> memref<1x80xi32, #tpu.memory_space<vmem>>
        %dma_wait3A_211 = tpu.memref_squeeze %dma_wait3A_210 : memref<1x80xi32, #tpu.memory_space<vmem>> -> memref<80xi32, #tpu.memory_space<vmem>>
        %dma_wait3A_212 = arith.constant 0 : i32
        %dma_wait3A_213 = arith.constant 0 : i32
        %dma_wait3A_214 = tpu.memref_slice %arg15[%dma_wait3A_212, %dma_wait3A_213] : memref<10240x64xf32, #tpu.memory_space<vmem_shared>> -> memref<10240x64xf32, #tpu.memory_space<vmem_shared>>
        tpu.wait_indirect_dma semaphore(%arg21 : memref<!tpu.dma_semaphore, #tpu.memory_space<semaphore_mem>>) src(%arg9 : memref<80x64xf32, #tpu.memory_space<vmem>>) dst(%dma_wait3A_214 : memref<10240x64xf32, #tpu.memory_space<vmem_shared>>)
        %add3A_215 = arith.constant 5 : i32
        %add3A_216 = arith.addi %add3A_129, %add3A_215 : i32
        %sub3A_217 = arith.constant 1 : i32
        %sub3A_218 = arith.subi %add3A_216, %sub3A_217 : i32
        %dma_start3A_219 = arith.constant 0 : i32
        %dma_start3A_220 = tpu.memref_slice %arg7[%sub3A_218, %dma_start3A_219] : memref<250x80xi32, #tpu.memory_space<vmem>> -> memref<1x80xi32, #tpu.memory_space<vmem>>
        %dma_start3A_221 = tpu.memref_squeeze %dma_start3A_220 : memref<1x80xi32, #tpu.memory_space<vmem>> -> memref<80xi32, #tpu.memory_space<vmem>>
        %dma_start3A_222 = arith.constant 0 : i32
        %dma_start3A_223 = arith.constant 0 : i32
        %dma_start3A_224 = tpu.memref_slice %arg2[%dma_start3A_222, %dma_start3A_223] : memref<20000x64xf32, #tpu.memory_space<hbm>> -> memref<20000x64xf32, #tpu.memory_space<hbm>>
        tpu.enqueue_indirect_dma source(%dma_start3A_224 : memref<20000x64xf32, #tpu.memory_space<hbm>>) target(%arg9 : memref<80x64xf32, #tpu.memory_space<vmem>>) offsets(%dma_start3A_221 : memref<80xi32, #tpu.memory_space<vmem>>) semaphore(%arg16 : memref<!tpu.dma_semaphore, #tpu.memory_space<semaphore_mem>>)
      } else {
      }
      %mul3A_146 = arith.constant 5 : i32
      %mul3A_147 = arith.muli %mul3A_146, %scan3A_97 : i32
      %add3A_148 = arith.constant 2 : i32
      %add3A_149 = arith.addi %mul3A_147, %add3A_148 : i32
      %dma_wait3A_150 = arith.constant 0 : i32
      %dma_wait3A_151 = tpu.memref_slice %arg7[%add3A_149, %dma_wait3A_150] : memref<250x80xi32, #tpu.memory_space<vmem>> -> memref<1x80xi32, #tpu.memory_space<vmem>>
      %dma_wait3A_152 = tpu.memref_squeeze %dma_wait3A_151 : memref<1x80xi32, #tpu.memory_space<vmem>> -> memref<80xi32, #tpu.memory_space<vmem>>
      %dma_wait3A_153 = arith.constant 0 : i32
      %dma_wait3A_154 = arith.constant 0 : i32
      %dma_wait3A_155 = tpu.memref_slice %arg2[%dma_wait3A_153, %dma_wait3A_154] : memref<20000x64xf32, #tpu.memory_space<hbm>> -> memref<20000x64xf32, #tpu.memory_space<hbm>>
      tpu.wait_indirect_dma semaphore(%arg18 : memref<!tpu.dma_semaphore, #tpu.memory_space<semaphore_mem>>) src(%dma_wait3A_155 : memref<20000x64xf32, #tpu.memory_space<hbm>>) dst(%arg11 : memref<80x64xf32, #tpu.memory_space<vmem>>)
      %dma_start3A_156 = arith.constant 0 : i32
      %dma_start3A_157 = tpu.memref_slice %arg8[%add3A_149, %dma_start3A_156] : memref<250x80xi32, #tpu.memory_space<vmem>> -> memref<1x80xi32, #tpu.memory_space<vmem>>
      %dma_start3A_158 = tpu.memref_squeeze %dma_start3A_157 : memref<1x80xi32, #tpu.memory_space<vmem>> -> memref<80xi32, #tpu.memory_space<vmem>>
      %dma_start3A_159 = arith.constant 0 : i32
      %dma_start3A_160 = arith.constant 0 : i32
      %dma_start3A_161 = tpu.memref_slice %arg15[%dma_start3A_159, %dma_start3A_160] : memref<10240x64xf32, #tpu.memory_space<vmem_shared>> -> memref<10240x64xf32, #tpu.memory_space<vmem_shared>>
      tpu.enqueue_indirect_dma source(%arg11 : memref<80x64xf32, #tpu.memory_space<vmem>>) target(%dma_start3A_161 : memref<10240x64xf32, #tpu.memory_space<vmem_shared>>) offsets(%dma_start3A_158 : memref<80xi32, #tpu.memory_space<vmem>>) semaphore(%arg23 : memref<!tpu.dma_semaphore, #tpu.memory_space<semaphore_mem>>) {add = true}
      %lt3A_162 = arith.constant 49 : i32
      %lt3A_163 = arith.cmpi slt, %scan3A_97, %lt3A_162 : i32
      %convert_element_type3A_164 = arith.extui %lt3A_163 : i1 to i32
      %cond3A_165 = arith.constant 0 : i32
      %cond3A_166 = arith.cmpi ne, %convert_element_type3A_164, %cond3A_165 : i32
      scf.if %cond3A_166 {
        %dma_wait3A_209 = arith.constant 0 : i32
        %dma_wait3A_210 = tpu.memref_slice %arg8[%add3A_149, %dma_wait3A_209] : memref<250x80xi32, #tpu.memory_space<vmem>> -> memref<1x80xi32, #tpu.memory_space<vmem>>
        %dma_wait3A_211 = tpu.memref_squeeze %dma_wait3A_210 : memref<1x80xi32, #tpu.memory_space<vmem>> -> memref<80xi32, #tpu.memory_space<vmem>>
        %dma_wait3A_212 = arith.constant 0 : i32
        %dma_wait3A_213 = arith.constant 0 : i32
        %dma_wait3A_214 = tpu.memref_slice %arg15[%dma_wait3A_212, %dma_wait3A_213] : memref<10240x64xf32, #tpu.memory_space<vmem_shared>> -> memref<10240x64xf32, #tpu.memory_space<vmem_shared>>
        tpu.wait_indirect_dma semaphore(%arg22 : memref<!tpu.dma_semaphore, #tpu.memory_space<semaphore_mem>>) src(%arg10 : memref<80x64xf32, #tpu.memory_space<vmem>>) dst(%dma_wait3A_214 : memref<10240x64xf32, #tpu.memory_space<vmem_shared>>)
        %add3A_215 = arith.constant 5 : i32
        %add3A_216 = arith.addi %add3A_149, %add3A_215 : i32
        %sub3A_217 = arith.constant 1 : i32
        %sub3A_218 = arith.subi %add3A_216, %sub3A_217 : i32
        %dma_start3A_219 = arith.constant 0 : i32
        %dma_start3A_220 = tpu.memref_slice %arg7[%sub3A_218, %dma_start3A_219] : memref<250x80xi32, #tpu.memory_space<vmem>> -> memref<1x80xi32, #tpu.memory_space<vmem>>
        %dma_start3A_221 = tpu.memref_squeeze %dma_start3A_220 : memref<1x80xi32, #tpu.memory_space<vmem>> -> memref<80xi32, #tpu.memory_space<vmem>>
        %dma_start3A_222 = arith.constant 0 : i32
        %dma_start3A_223 = arith.constant 0 : i32
        %dma_start3A_224 = tpu.memref_slice %arg2[%dma_start3A_222, %dma_start3A_223] : memref<20000x64xf32, #tpu.memory_space<hbm>> -> memref<20000x64xf32, #tpu.memory_space<hbm>>
        tpu.enqueue_indirect_dma source(%dma_start3A_224 : memref<20000x64xf32, #tpu.memory_space<hbm>>) target(%arg10 : memref<80x64xf32, #tpu.memory_space<vmem>>) offsets(%dma_start3A_221 : memref<80xi32, #tpu.memory_space<vmem>>) semaphore(%arg17 : memref<!tpu.dma_semaphore, #tpu.memory_space<semaphore_mem>>)
      } else {
      }
      %mul3A_167 = arith.constant 5 : i32
      %mul3A_168 = arith.muli %mul3A_167, %scan3A_97 : i32
      %add3A_169 = arith.constant 3 : i32
      %add3A_170 = arith.addi %mul3A_168, %add3A_169 : i32
      %dma_wait3A_171 = arith.constant 0 : i32
      %dma_wait3A_172 = tpu.memref_slice %arg7[%add3A_170, %dma_wait3A_171] : memref<250x80xi32, #tpu.memory_space<vmem>> -> memref<1x80xi32, #tpu.memory_space<vmem>>
      %dma_wait3A_173 = tpu.memref_squeeze %dma_wait3A_172 : memref<1x80xi32, #tpu.memory_space<vmem>> -> memref<80xi32, #tpu.memory_space<vmem>>
      %dma_wait3A_174 = arith.constant 0 : i32
      %dma_wait3A_175 = arith.constant 0 : i32
      %dma_wait3A_176 = tpu.memref_slice %arg2[%dma_wait3A_174, %dma_wait3A_175] : memref<20000x64xf32, #tpu.memory_space<hbm>> -> memref<20000x64xf32, #tpu.memory_space<hbm>>
      tpu.wait_indirect_dma semaphore(%arg19 : memref<!tpu.dma_semaphore, #tpu.memory_space<semaphore_mem>>) src(%dma_wait3A_176 : memref<20000x64xf32, #tpu.memory_space<hbm>>) dst(%arg12 : memref<80x64xf32, #tpu.memory_space<vmem>>)
      %dma_start3A_177 = arith.constant 0 : i32
      %dma_start3A_178 = tpu.memref_slice %arg8[%add3A_170, %dma_start3A_177] : memref<250x80xi32, #tpu.memory_space<vmem>> -> memref<1x80xi32, #tpu.memory_space<vmem>>
      %dma_start3A_179 = tpu.memref_squeeze %dma_start3A_178 : memref<1x80xi32, #tpu.memory_space<vmem>> -> memref<80xi32, #tpu.memory_space<vmem>>
      %dma_start3A_180 = arith.constant 0 : i32
      %dma_start3A_181 = arith.constant 0 : i32
      %dma_start3A_182 = tpu.memref_slice %arg15[%dma_start3A_180, %dma_start3A_181] : memref<10240x64xf32, #tpu.memory_space<vmem_shared>> -> memref<10240x64xf32, #tpu.memory_space<vmem_shared>>
      tpu.enqueue_indirect_dma source(%arg12 : memref<80x64xf32, #tpu.memory_space<vmem>>) target(%dma_start3A_182 : memref<10240x64xf32, #tpu.memory_space<vmem_shared>>) offsets(%dma_start3A_179 : memref<80xi32, #tpu.memory_space<vmem>>) semaphore(%arg24 : memref<!tpu.dma_semaphore, #tpu.memory_space<semaphore_mem>>) {add = true}
      %lt3A_183 = arith.constant 49 : i32
      %lt3A_184 = arith.cmpi slt, %scan3A_97, %lt3A_183 : i32
      %convert_element_type3A_185 = arith.extui %lt3A_184 : i1 to i32
      %cond3A_186 = arith.constant 0 : i32
      %cond3A_187 = arith.cmpi ne, %convert_element_type3A_185, %cond3A_186 : i32
      scf.if %cond3A_187 {
        %dma_wait3A_209 = arith.constant 0 : i32
        %dma_wait3A_210 = tpu.memref_slice %arg8[%add3A_170, %dma_wait3A_209] : memref<250x80xi32, #tpu.memory_space<vmem>> -> memref<1x80xi32, #tpu.memory_space<vmem>>
        %dma_wait3A_211 = tpu.memref_squeeze %dma_wait3A_210 : memref<1x80xi32, #tpu.memory_space<vmem>> -> memref<80xi32, #tpu.memory_space<vmem>>
        %dma_wait3A_212 = arith.constant 0 : i32
        %dma_wait3A_213 = arith.constant 0 : i32
        %dma_wait3A_214 = tpu.memref_slice %arg15[%dma_wait3A_212, %dma_wait3A_213] : memref<10240x64xf32, #tpu.memory_space<vmem_shared>> -> memref<10240x64xf32, #tpu.memory_space<vmem_shared>>
        tpu.wait_indirect_dma semaphore(%arg23 : memref<!tpu.dma_semaphore, #tpu.memory_space<semaphore_mem>>) src(%arg11 : memref<80x64xf32, #tpu.memory_space<vmem>>) dst(%dma_wait3A_214 : memref<10240x64xf32, #tpu.memory_space<vmem_shared>>)
        %add3A_215 = arith.constant 5 : i32
        %add3A_216 = arith.addi %add3A_170, %add3A_215 : i32
        %sub3A_217 = arith.constant 1 : i32
        %sub3A_218 = arith.subi %add3A_216, %sub3A_217 : i32
        %dma_start3A_219 = arith.constant 0 : i32
        %dma_start3A_220 = tpu.memref_slice %arg7[%sub3A_218, %dma_start3A_219] : memref<250x80xi32, #tpu.memory_space<vmem>> -> memref<1x80xi32, #tpu.memory_space<vmem>>
        %dma_start3A_221 = tpu.memref_squeeze %dma_start3A_220 : memref<1x80xi32, #tpu.memory_space<vmem>> -> memref<80xi32, #tpu.memory_space<vmem>>
        %dma_start3A_222 = arith.constant 0 : i32
        %dma_start3A_223 = arith.constant 0 : i32
        %dma_start3A_224 = tpu.memref_slice %arg2[%dma_start3A_222, %dma_start3A_223] : memref<20000x64xf32, #tpu.memory_space<hbm>> -> memref<20000x64xf32, #tpu.memory_space<hbm>>
        tpu.enqueue_indirect_dma source(%dma_start3A_224 : memref<20000x64xf32, #tpu.memory_space<hbm>>) target(%arg11 : memref<80x64xf32, #tpu.memory_space<vmem>>) offsets(%dma_start3A_221 : memref<80xi32, #tpu.memory_space<vmem>>) semaphore(%arg18 : memref<!tpu.dma_semaphore, #tpu.memory_space<semaphore_mem>>)
      } else {
      }
      %mul3A_188 = arith.constant 5 : i32
      %mul3A_189 = arith.muli %mul3A_188, %scan3A_97 : i32
      %add3A_190 = arith.constant 4 : i32
      %add3A_191 = arith.addi %mul3A_189, %add3A_190 : i32
      %dma_wait3A_192 = arith.constant 0 : i32
      %dma_wait3A_193 = tpu.memref_slice %arg7[%add3A_191, %dma_wait3A_192] : memref<250x80xi32, #tpu.memory_space<vmem>> -> memref<1x80xi32, #tpu.memory_space<vmem>>
      %dma_wait3A_194 = tpu.memref_squeeze %dma_wait3A_193 : memref<1x80xi32, #tpu.memory_space<vmem>> -> memref<80xi32, #tpu.memory_space<vmem>>
      %dma_wait3A_195 = arith.constant 0 : i32
      %dma_wait3A_196 = arith.constant 0 : i32
      %dma_wait3A_197 = tpu.memref_slice %arg2[%dma_wait3A_195, %dma_wait3A_196] : memref<20000x64xf32, #tpu.memory_space<hbm>> -> memref<20000x64xf32, #tpu.memory_space<hbm>>
      tpu.wait_indirect_dma semaphore(%arg20 : memref<!tpu.dma_semaphore, #tpu.memory_space<semaphore_mem>>) src(%dma_wait3A_197 : memref<20000x64xf32, #tpu.memory_space<hbm>>) dst(%arg13 : memref<80x64xf32, #tpu.memory_space<vmem>>)
      %dma_start3A_198 = arith.constant 0 : i32
      %dma_start3A_199 = tpu.memref_slice %arg8[%add3A_191, %dma_start3A_198] : memref<250x80xi32, #tpu.memory_space<vmem>> -> memref<1x80xi32, #tpu.memory_space<vmem>>
      %dma_start3A_200 = tpu.memref_squeeze %dma_start3A_199 : memref<1x80xi32, #tpu.memory_space<vmem>> -> memref<80xi32, #tpu.memory_space<vmem>>
      %dma_start3A_201 = arith.constant 0 : i32
      %dma_start3A_202 = arith.constant 0 : i32
      %dma_start3A_203 = tpu.memref_slice %arg15[%dma_start3A_201, %dma_start3A_202] : memref<10240x64xf32, #tpu.memory_space<vmem_shared>> -> memref<10240x64xf32, #tpu.memory_space<vmem_shared>>
      tpu.enqueue_indirect_dma source(%arg13 : memref<80x64xf32, #tpu.memory_space<vmem>>) target(%dma_start3A_203 : memref<10240x64xf32, #tpu.memory_space<vmem_shared>>) offsets(%dma_start3A_200 : memref<80xi32, #tpu.memory_space<vmem>>) semaphore(%arg25 : memref<!tpu.dma_semaphore, #tpu.memory_space<semaphore_mem>>) {add = true}
      %lt3A_204 = arith.constant 49 : i32
      %lt3A_205 = arith.cmpi slt, %scan3A_97, %lt3A_204 : i32
      %convert_element_type3A_206 = arith.extui %lt3A_205 : i1 to i32
      %cond3A_207 = arith.constant 0 : i32
      %cond3A_208 = arith.cmpi ne, %convert_element_type3A_206, %cond3A_207 : i32
      scf.if %cond3A_208 {
        %dma_wait3A_209 = arith.constant 0 : i32
        %dma_wait3A_210 = tpu.memref_slice %arg8[%add3A_191, %dma_wait3A_209] : memref<250x80xi32, #tpu.memory_space<vmem>> -> memref<1x80xi32, #tpu.memory_space<vmem>>
        %dma_wait3A_211 = tpu.memref_squeeze %dma_wait3A_210 : memref<1x80xi32, #tpu.memory_space<vmem>> -> memref<80xi32, #tpu.memory_space<vmem>>
        %dma_wait3A_212 = arith.constant 0 : i32
        %dma_wait3A_213 = arith.constant 0 : i32
        %dma_wait3A_214 = tpu.memref_slice %arg15[%dma_wait3A_212, %dma_wait3A_213] : memref<10240x64xf32, #tpu.memory_space<vmem_shared>> -> memref<10240x64xf32, #tpu.memory_space<vmem_shared>>
        tpu.wait_indirect_dma semaphore(%arg24 : memref<!tpu.dma_semaphore, #tpu.memory_space<semaphore_mem>>) src(%arg12 : memref<80x64xf32, #tpu.memory_space<vmem>>) dst(%dma_wait3A_214 : memref<10240x64xf32, #tpu.memory_space<vmem_shared>>)
        %add3A_215 = arith.constant 5 : i32
        %add3A_216 = arith.addi %add3A_191, %add3A_215 : i32
        %sub3A_217 = arith.constant 1 : i32
        %sub3A_218 = arith.subi %add3A_216, %sub3A_217 : i32
        %dma_start3A_219 = arith.constant 0 : i32
        %dma_start3A_220 = tpu.memref_slice %arg7[%sub3A_218, %dma_start3A_219] : memref<250x80xi32, #tpu.memory_space<vmem>> -> memref<1x80xi32, #tpu.memory_space<vmem>>
        %dma_start3A_221 = tpu.memref_squeeze %dma_start3A_220 : memref<1x80xi32, #tpu.memory_space<vmem>> -> memref<80xi32, #tpu.memory_space<vmem>>
        %dma_start3A_222 = arith.constant 0 : i32
        %dma_start3A_223 = arith.constant 0 : i32
        %dma_start3A_224 = tpu.memref_slice %arg2[%dma_start3A_222, %dma_start3A_223] : memref<20000x64xf32, #tpu.memory_space<hbm>> -> memref<20000x64xf32, #tpu.memory_space<hbm>>
        tpu.enqueue_indirect_dma source(%dma_start3A_224 : memref<20000x64xf32, #tpu.memory_space<hbm>>) target(%arg12 : memref<80x64xf32, #tpu.memory_space<vmem>>) offsets(%dma_start3A_221 : memref<80xi32, #tpu.memory_space<vmem>>) semaphore(%arg19 : memref<!tpu.dma_semaphore, #tpu.memory_space<semaphore_mem>>)
      } else {
      }
    }
    %scan3A_56 = arith.constant 50 : i32
    %dma_wait3A = arith.constant 0 : i32
    %dma_wait3A_57 = arith.constant 0 : i32
    %dma_wait3A_58 = tpu.memref_slice %arg8[%dma_wait3A, %dma_wait3A_57] : memref<250x80xi32, #tpu.memory_space<vmem>> -> memref<1x80xi32, #tpu.memory_space<vmem>>
    %dma_wait3A_59 = tpu.memref_squeeze %dma_wait3A_58 : memref<1x80xi32, #tpu.memory_space<vmem>> -> memref<80xi32, #tpu.memory_space<vmem>>
    %dma_wait3A_60 = arith.constant 0 : i32
    %dma_wait3A_61 = arith.constant 0 : i32
    %dma_wait3A_62 = tpu.memref_slice %arg15[%dma_wait3A_60, %dma_wait3A_61] : memref<10240x64xf32, #tpu.memory_space<vmem_shared>> -> memref<10240x64xf32, #tpu.memory_space<vmem_shared>>
    tpu.wait_indirect_dma semaphore(%arg21 : memref<!tpu.dma_semaphore, #tpu.memory_space<semaphore_mem>>) src(%arg9 : memref<80x64xf32, #tpu.memory_space<vmem>>) dst(%dma_wait3A_62 : memref<10240x64xf32, #tpu.memory_space<vmem_shared>>)
    %dma_wait3A_63 = arith.constant 0 : i32
    %dma_wait3A_64 = arith.constant 0 : i32
    %dma_wait3A_65 = tpu.memref_slice %arg8[%dma_wait3A_63, %dma_wait3A_64] : memref<250x80xi32, #tpu.memory_space<vmem>> -> memref<1x80xi32, #tpu.memory_space<vmem>>
    %dma_wait3A_66 = tpu.memref_squeeze %dma_wait3A_65 : memref<1x80xi32, #tpu.memory_space<vmem>> -> memref<80xi32, #tpu.memory_space<vmem>>
    %dma_wait3A_67 = arith.constant 0 : i32
    %dma_wait3A_68 = arith.constant 0 : i32
    %dma_wait3A_69 = tpu.memref_slice %arg15[%dma_wait3A_67, %dma_wait3A_68] : memref<10240x64xf32, #tpu.memory_space<vmem_shared>> -> memref<10240x64xf32, #tpu.memory_space<vmem_shared>>
    tpu.wait_indirect_dma semaphore(%arg22 : memref<!tpu.dma_semaphore, #tpu.memory_space<semaphore_mem>>) src(%arg10 : memref<80x64xf32, #tpu.memory_space<vmem>>) dst(%dma_wait3A_69 : memref<10240x64xf32, #tpu.memory_space<vmem_shared>>)
    %dma_wait3A_70 = arith.constant 0 : i32
    %dma_wait3A_71 = arith.constant 0 : i32
    %dma_wait3A_72 = tpu.memref_slice %arg8[%dma_wait3A_70, %dma_wait3A_71] : memref<250x80xi32, #tpu.memory_space<vmem>> -> memref<1x80xi32, #tpu.memory_space<vmem>>
    %dma_wait3A_73 = tpu.memref_squeeze %dma_wait3A_72 : memref<1x80xi32, #tpu.memory_space<vmem>> -> memref<80xi32, #tpu.memory_space<vmem>>
    %dma_wait3A_74 = arith.constant 0 : i32
    %dma_wait3A_75 = arith.constant 0 : i32
    %dma_wait3A_76 = tpu.memref_slice %arg15[%dma_wait3A_74, %dma_wait3A_75] : memref<10240x64xf32, #tpu.memory_space<vmem_shared>> -> memref<10240x64xf32, #tpu.memory_space<vmem_shared>>
    tpu.wait_indirect_dma semaphore(%arg23 : memref<!tpu.dma_semaphore, #tpu.memory_space<semaphore_mem>>) src(%arg11 : memref<80x64xf32, #tpu.memory_space<vmem>>) dst(%dma_wait3A_76 : memref<10240x64xf32, #tpu.memory_space<vmem_shared>>)
    %dma_wait3A_77 = arith.constant 0 : i32
    %dma_wait3A_78 = arith.constant 0 : i32
    %dma_wait3A_79 = tpu.memref_slice %arg8[%dma_wait3A_77, %dma_wait3A_78] : memref<250x80xi32, #tpu.memory_space<vmem>> -> memref<1x80xi32, #tpu.memory_space<vmem>>
    %dma_wait3A_80 = tpu.memref_squeeze %dma_wait3A_79 : memref<1x80xi32, #tpu.memory_space<vmem>> -> memref<80xi32, #tpu.memory_space<vmem>>
    %dma_wait3A_81 = arith.constant 0 : i32
    %dma_wait3A_82 = arith.constant 0 : i32
    %dma_wait3A_83 = tpu.memref_slice %arg15[%dma_wait3A_81, %dma_wait3A_82] : memref<10240x64xf32, #tpu.memory_space<vmem_shared>> -> memref<10240x64xf32, #tpu.memory_space<vmem_shared>>
    tpu.wait_indirect_dma semaphore(%arg24 : memref<!tpu.dma_semaphore, #tpu.memory_space<semaphore_mem>>) src(%arg12 : memref<80x64xf32, #tpu.memory_space<vmem>>) dst(%dma_wait3A_83 : memref<10240x64xf32, #tpu.memory_space<vmem_shared>>)
    %dma_wait3A_84 = arith.constant 0 : i32
    %dma_wait3A_85 = arith.constant 0 : i32
    %dma_wait3A_86 = tpu.memref_slice %arg8[%dma_wait3A_84, %dma_wait3A_85] : memref<250x80xi32, #tpu.memory_space<vmem>> -> memref<1x80xi32, #tpu.memory_space<vmem>>
    %dma_wait3A_87 = tpu.memref_squeeze %dma_wait3A_86 : memref<1x80xi32, #tpu.memory_space<vmem>> -> memref<80xi32, #tpu.memory_space<vmem>>
    %dma_wait3A_88 = arith.constant 0 : i32
    %dma_wait3A_89 = arith.constant 0 : i32
    %dma_wait3A_90 = tpu.memref_slice %arg15[%dma_wait3A_88, %dma_wait3A_89] : memref<10240x64xf32, #tpu.memory_space<vmem_shared>> -> memref<10240x64xf32, #tpu.memory_space<vmem_shared>>
    tpu.wait_indirect_dma semaphore(%arg25 : memref<!tpu.dma_semaphore, #tpu.memory_space<semaphore_mem>>) src(%arg13 : memref<80x64xf32, #tpu.memory_space<vmem>>) dst(%dma_wait3A_90 : memref<10240x64xf32, #tpu.memory_space<vmem_shared>>)
    %barrier3A_91 = arith.constant 0 : index
    tpu.barrier barrier_id(%barrier3A_91)
    %mul3A = arith.constant 640 : i32
    %mul3A_92 = arith.muli %arg1, %mul3A : i32
    %mul3A_93 = arith.constant 640 : i32
    %mul3A_94 = arith.muli %arg1, %mul3A_93 : i32
    %mul3A_95 = arith.constant 64 : i32
    %mul3A_96 = arith.muli %arg0, %mul3A_95 : i32
    "tpu.region"() ({
      %run_scoped3A = tpu.sem_alloc : memref<!tpu.dma_semaphore, #tpu.memory_space<semaphore_mem>>
      %dma_start3A_97 = tpu.memref_slice %arg6[%mul3A_94, %mul3A_96] : memref<10240x128xf32, #tpu.memory_space<hbm>> -> memref<640x64xf32, #tpu.memory_space<hbm>>
      %dma_start3A_98 = arith.constant 0 : i32
      %dma_start3A_99 = tpu.memref_slice %arg15[%mul3A_92, %dma_start3A_98] : memref<10240x64xf32, #tpu.memory_space<vmem_shared>> -> memref<640x64xf32, #tpu.memory_space<vmem_shared>>
      tpu.enqueue_dma source(%dma_start3A_99 : memref<640x64xf32, #tpu.memory_space<vmem_shared>>) target(%dma_start3A_97 : memref<640x64xf32, #tpu.memory_space<hbm>>) target_semaphore(%run_scoped3A : memref<!tpu.dma_semaphore, #tpu.memory_space<semaphore_mem>>)
      %dma_wait3A_100 = tpu.memref_slice %arg6[%mul3A_94, %mul3A_96] : memref<10240x128xf32, #tpu.memory_space<hbm>> -> memref<640x64xf32, #tpu.memory_space<hbm>>
      %dma_wait3A_101 = arith.constant 0 : i32
      %dma_wait3A_102 = tpu.memref_slice %arg15[%mul3A_92, %dma_wait3A_101] : memref<10240x64xf32, #tpu.memory_space<vmem_shared>> -> memref<640x64xf32, #tpu.memory_space<vmem_shared>>
      tpu.wait_dma2 semaphore(%run_scoped3A : memref<!tpu.dma_semaphore, #tpu.memory_space<semaphore_mem>>) src(%dma_wait3A_102 : memref<640x64xf32, #tpu.memory_space<vmem_shared>>) dst(%dma_wait3A_100 : memref<640x64xf32, #tpu.memory_space<hbm>>)
      tpu.yield
    }) : () -> ()
    return
  }
}

#map = affine_map<(d0, d1) -> (0, 0, 0)>
#map1 = affine_map<(d0, d1) -> (0, 0)>
module attributes {stable_mosaic.version = 14 : i64} {
  func.func @_deg_kernel(%arg0: i32, %arg1: i32, %arg2: memref<16x250x80xi32, #tpu.memory_space<hbm>>, %arg3: memref<10240x128xf32, #tpu.memory_space<hbm>>, %arg4: memref<125x80xi32, #tpu.memory_space<vmem>>, %arg5: memref<80x16xf32, #tpu.memory_space<vmem>>, %arg6: memref<10240x16xf32, #tpu.memory_space<vmem_shared>>, %arg7: memref<!tpu.dma_semaphore, #tpu.memory_space<semaphore_mem>>) attributes {dimension_semantics = [#tpu.dimension_semantics<core_parallel>, #tpu.dimension_semantics<subcore_parallel>], iteration_bounds = array<i64: 2, 16>, scalar_prefetch = 0 : i64, scratch_operands = 4 : i64, tpu.core_type = #tpu.core_type<sc_vector_subcore>, window_params = [{transform_indices = #map}, {transform_indices = #map1}]} {
    %scan3A = arith.constant 0.000000e+00 : f32
    %scan3A_0 = arith.constant 0 : i32
    %scan3A_1 = arith.constant 80 : i32
    %scan3A_2 = arith.addi %scan3A_0, %scan3A_1 : i32
    %scan3A_3 = arith.constant 1 : i32
    scf.for %scan3A_37 = %scan3A_0 to %scan3A_2 step %scan3A_3  : i32 {
      %broadcast_in_dim3A = vector.broadcast %scan3A : f32 to vector<16xf32>
      %swap3A = arith.index_cast %scan3A_37 : i32 to index
      %swap3A_38 = arith.constant 0 : index
      %swap3A_39 = tpu.vector_load %arg5[%swap3A, %swap3A_38] {strides = array<i32>} : memref<80x16xf32, #tpu.memory_space<vmem>>, vector<1x16xf32>,
      %swap3A_40 = vector.shape_cast %swap3A_39 : vector<1x16xf32> to vector<16xf32>
      %swap3A_41 = vector.shape_cast %broadcast_in_dim3A : vector<16xf32> to vector<1x16xf32>
      tpu.vector_store %arg5[%swap3A, %swap3A_38], %swap3A_41 {strides = array<i32>} : memref<80x16xf32, #tpu.memory_space<vmem>>, vector<1x16xf32>,
    }
    %scan3A_4 = arith.constant 80 : i32
    %scan3A_5 = arith.constant 0 : i32
    %scan3A_6 = arith.constant 0 : i32
    %scan3A_7 = arith.constant 8 : i32
    %scan3A_8 = arith.addi %scan3A_6, %scan3A_7 : i32
    %scan3A_9 = arith.constant 1 : i32
    scf.for %scan3A_37 = %scan3A_6 to %scan3A_8 step %scan3A_9  : i32 {
      %mul3A_38 = arith.constant 640 : i32
      %mul3A_39 = arith.muli %arg1, %mul3A_38 : i32
      %mul3A_40 = arith.constant 80 : i32
      %mul3A_41 = arith.muli %scan3A_37, %mul3A_40 : i32
      %add3A = arith.addi %mul3A_39, %mul3A_41 : i32
      "tpu.region"() ({
        %run_scoped3A = tpu.sem_alloc : memref<!tpu.dma_semaphore, #tpu.memory_space<semaphore_mem>>
        %dma_start3A = arith.constant 0 : i32
        %dma_start3A_42 = tpu.memref_slice %arg6[%add3A, %dma_start3A] : memref<10240x16xf32, #tpu.memory_space<vmem_shared>> -> memref<80x16xf32, #tpu.memory_space<vmem_shared>>
        %dma_start3A_43 = arith.constant 0 : i32
        %dma_start3A_44 = tpu.memref_slice %arg6[%add3A, %dma_start3A_43] : memref<10240x16xf32, #tpu.memory_space<vmem_shared>> -> memref<80x16xf32, #tpu.memory_space<vmem_shared>>
        tpu.enqueue_dma source(%arg5 : memref<80x16xf32, #tpu.memory_space<vmem>>) target(%dma_start3A_44 : memref<80x16xf32, #tpu.memory_space<vmem_shared>>) target_semaphore(%run_scoped3A : memref<!tpu.dma_semaphore, #tpu.memory_space<semaphore_mem>>)
        %dma_wait3A = arith.constant 0 : i32
        %dma_wait3A_45 = tpu.memref_slice %arg6[%add3A, %dma_wait3A] : memref<10240x16xf32, #tpu.memory_space<vmem_shared>> -> memref<80x16xf32, #tpu.memory_space<vmem_shared>>
        %dma_wait3A_46 = arith.constant 0 : i32
        %dma_wait3A_47 = tpu.memref_slice %arg6[%add3A, %dma_wait3A_46] : memref<10240x16xf32, #tpu.memory_space<vmem_shared>> -> memref<80x16xf32, #tpu.memory_space<vmem_shared>>
        tpu.wait_dma2 semaphore(%run_scoped3A : memref<!tpu.dma_semaphore, #tpu.memory_space<semaphore_mem>>) src(%arg5 : memref<80x16xf32, #tpu.memory_space<vmem>>) dst(%dma_wait3A_47 : memref<80x16xf32, #tpu.memory_space<vmem_shared>>)
        tpu.yield
      }) : () -> ()
    }
    %scan3A_10 = arith.constant 8 : i32
    %scan3A_11 = arith.constant 1.000000e+00 : f32
    %scan3A_12 = arith.constant 0 : i32
    %scan3A_13 = arith.constant 80 : i32
    %scan3A_14 = arith.addi %scan3A_12, %scan3A_13 : i32
    %scan3A_15 = arith.constant 1 : i32
    scf.for %scan3A_37 = %scan3A_12 to %scan3A_14 step %scan3A_15  : i32 {
      %broadcast_in_dim3A = vector.broadcast %scan3A_11 : f32 to vector<16xf32>
      %swap3A = arith.index_cast %scan3A_37 : i32 to index
      %swap3A_38 = arith.constant 0 : index
      %swap3A_39 = tpu.vector_load %arg5[%swap3A, %swap3A_38] {strides = array<i32>} : memref<80x16xf32, #tpu.memory_space<vmem>>, vector<1x16xf32>,
      %swap3A_40 = vector.shape_cast %swap3A_39 : vector<1x16xf32> to vector<16xf32>
      %swap3A_41 = vector.shape_cast %broadcast_in_dim3A : vector<16xf32> to vector<1x16xf32>
      tpu.vector_store %arg5[%swap3A, %swap3A_38], %swap3A_41 {strides = array<i32>} : memref<80x16xf32, #tpu.memory_space<vmem>>, vector<1x16xf32>,
    }
    %scan3A_16 = arith.constant 80 : i32
    %mul3A = arith.constant 125 : i32
    %mul3A_17 = arith.muli %arg0, %mul3A : i32
    "tpu.region"() ({
      %run_scoped3A = tpu.sem_alloc : memref<!tpu.dma_semaphore, #tpu.memory_space<semaphore_mem>>
      %dma_start3A = arith.constant 0 : i32
      %dma_start3A_37 = tpu.memref_slice %arg2[%arg1, %mul3A_17, %dma_start3A] : memref<16x250x80xi32, #tpu.memory_space<hbm>> -> memref<1x125x80xi32, #tpu.memory_space<hbm>>
      %dma_start3A_38 = tpu.memref_squeeze %dma_start3A_37 : memref<1x125x80xi32, #tpu.memory_space<hbm>> -> memref<125x80xi32, #tpu.memory_space<hbm>>
      %dma_start3A_39 = arith.constant 0 : i32
      %dma_start3A_40 = tpu.memref_slice %arg2[%arg1, %mul3A_17, %dma_start3A_39] : memref<16x250x80xi32, #tpu.memory_space<hbm>> -> memref<1x125x80xi32, #tpu.memory_space<hbm>>
      %dma_start3A_41 = tpu.memref_squeeze %dma_start3A_40 : memref<1x125x80xi32, #tpu.memory_space<hbm>> -> memref<125x80xi32, #tpu.memory_space<hbm>>
      tpu.enqueue_dma source(%dma_start3A_41 : memref<125x80xi32, #tpu.memory_space<hbm>>) target(%arg4 : memref<125x80xi32, #tpu.memory_space<vmem>>) target_semaphore(%run_scoped3A : memref<!tpu.dma_semaphore, #tpu.memory_space<semaphore_mem>>)
      %dma_wait3A = arith.constant 0 : i32
      %dma_wait3A_42 = tpu.memref_slice %arg2[%arg1, %mul3A_17, %dma_wait3A] : memref<16x250x80xi32, #tpu.memory_space<hbm>> -> memref<1x125x80xi32, #tpu.memory_space<hbm>>
      %dma_wait3A_43 = tpu.memref_squeeze %dma_wait3A_42 : memref<1x125x80xi32, #tpu.memory_space<hbm>> -> memref<125x80xi32, #tpu.memory_space<hbm>>
      %dma_wait3A_44 = arith.constant 0 : i32
      %dma_wait3A_45 = tpu.memref_slice %arg2[%arg1, %mul3A_17, %dma_wait3A_44] : memref<16x250x80xi32, #tpu.memory_space<hbm>> -> memref<1x125x80xi32, #tpu.memory_space<hbm>>
      %dma_wait3A_46 = tpu.memref_squeeze %dma_wait3A_45 : memref<1x125x80xi32, #tpu.memory_space<hbm>> -> memref<125x80xi32, #tpu.memory_space<hbm>>
      tpu.wait_dma2 semaphore(%run_scoped3A : memref<!tpu.dma_semaphore, #tpu.memory_space<semaphore_mem>>) src(%dma_wait3A_46 : memref<125x80xi32, #tpu.memory_space<hbm>>) dst(%arg4 : memref<125x80xi32, #tpu.memory_space<vmem>>)
      tpu.yield
    }) : () -> ()
    %barrier3A = arith.constant 0 : index
    tpu.barrier barrier_id(%barrier3A)
    %scan3A_18 = arith.constant 0 : i32
    %scan3A_19 = arith.constant 0 : i32
    %scan3A_20 = arith.constant 125 : i32
    %scan3A_21 = arith.addi %scan3A_19, %scan3A_20 : i32
    %scan3A_22 = arith.constant 1 : i32
    scf.for %scan3A_37 = %scan3A_19 to %scan3A_21 step %scan3A_22  : i32 {
      %dma_start3A = arith.constant 0 : i32
      %dma_start3A_38 = tpu.memref_slice %arg4[%scan3A_37, %dma_start3A] : memref<125x80xi32, #tpu.memory_space<vmem>> -> memref<1x80xi32, #tpu.memory_space<vmem>>
      %dma_start3A_39 = tpu.memref_squeeze %dma_start3A_38 : memref<1x80xi32, #tpu.memory_space<vmem>> -> memref<80xi32, #tpu.memory_space<vmem>>
      %dma_start3A_40 = arith.constant 0 : i32
      %dma_start3A_41 = arith.constant 0 : i32
      %dma_start3A_42 = tpu.memref_slice %arg6[%dma_start3A_40, %dma_start3A_41] : memref<10240x16xf32, #tpu.memory_space<vmem_shared>> -> memref<10240x16xf32, #tpu.memory_space<vmem_shared>>
      tpu.enqueue_indirect_dma source(%arg5 : memref<80x16xf32, #tpu.memory_space<vmem>>) target(%dma_start3A_42 : memref<10240x16xf32, #tpu.memory_space<vmem_shared>>) offsets(%dma_start3A_39 : memref<80xi32, #tpu.memory_space<vmem>>) semaphore(%arg7 : memref<!tpu.dma_semaphore, #tpu.memory_space<semaphore_mem>>) {add = true}
    }
    %scan3A_23 = arith.constant 125 : i32
    %scan3A_24 = arith.constant 0 : i32
    %scan3A_25 = arith.constant 0 : i32
    %scan3A_26 = arith.constant 125 : i32
    %scan3A_27 = arith.addi %scan3A_25, %scan3A_26 : i32
    %scan3A_28 = arith.constant 1 : i32
    scf.for %scan3A_37 = %scan3A_25 to %scan3A_27 step %scan3A_28  : i32 {
      %dma_wait3A = arith.constant 0 : i32
      %dma_wait3A_38 = arith.constant 0 : i32
      %dma_wait3A_39 = tpu.memref_slice %arg4[%dma_wait3A, %dma_wait3A_38] : memref<125x80xi32, #tpu.memory_space<vmem>> -> memref<1x80xi32, #tpu.memory_space<vmem>>
      %dma_wait3A_40 = tpu.memref_squeeze %dma_wait3A_39 : memref<1x80xi32, #tpu.memory_space<vmem>> -> memref<80xi32, #tpu.memory_space<vmem>>
      %dma_wait3A_41 = arith.constant 0 : i32
      %dma_wait3A_42 = arith.constant 0 : i32
      %dma_wait3A_43 = tpu.memref_slice %arg6[%dma_wait3A_41, %dma_wait3A_42] : memref<10240x16xf32, #tpu.memory_space<vmem_shared>> -> memref<10240x16xf32, #tpu.memory_space<vmem_shared>>
      tpu.wait_indirect_dma semaphore(%arg7 : memref<!tpu.dma_semaphore, #tpu.memory_space<semaphore_mem>>) src(%arg5 : memref<80x16xf32, #tpu.memory_space<vmem>>) dst(%dma_wait3A_43 : memref<10240x16xf32, #tpu.memory_space<vmem_shared>>)
    }
    %scan3A_29 = arith.constant 125 : i32
    %barrier3A_30 = arith.constant 0 : index
    tpu.barrier barrier_id(%barrier3A_30)
    %mul3A_31 = arith.constant 640 : i32
    %mul3A_32 = arith.muli %arg1, %mul3A_31 : i32
    %mul3A_33 = arith.constant 640 : i32
    %mul3A_34 = arith.muli %arg1, %mul3A_33 : i32
    %mul3A_35 = arith.constant 64 : i32
    %mul3A_36 = arith.muli %arg0, %mul3A_35 : i32
    "tpu.region"() ({
      %run_scoped3A = tpu.sem_alloc : memref<!tpu.dma_semaphore, #tpu.memory_space<semaphore_mem>>
      %dma_start3A = tpu.memref_slice %arg3[%mul3A_34, %mul3A_36] : memref<10240x128xf32, #tpu.memory_space<hbm>> -> memref<640x16xf32, #tpu.memory_space<hbm>>
      %dma_start3A_37 = arith.constant 0 : i32
      %dma_start3A_38 = tpu.memref_slice %arg6[%mul3A_32, %dma_start3A_37] : memref<10240x16xf32, #tpu.memory_space<vmem_shared>> -> memref<640x16xf32, #tpu.memory_space<vmem_shared>>
      tpu.enqueue_dma source(%dma_start3A_38 : memref<640x16xf32, #tpu.memory_space<vmem_shared>>) target(%dma_start3A : memref<640x16xf32, #tpu.memory_space<hbm>>) target_semaphore(%run_scoped3A : memref<!tpu.dma_semaphore, #tpu.memory_space<semaphore_mem>>)
      %dma_wait3A = tpu.memref_slice %arg3[%mul3A_34, %mul3A_36] : memref<10240x128xf32, #tpu.memory_space<hbm>> -> memref<640x16xf32, #tpu.memory_space<hbm>>
      %dma_wait3A_39 = arith.constant 0 : i32
      %dma_wait3A_40 = tpu.memref_slice %arg6[%mul3A_32, %dma_wait3A_39] : memref<10240x16xf32, #tpu.memory_space<vmem_shared>> -> memref<640x16xf32, #tpu.memory_space<vmem_shared>>
      tpu.wait_dma2 semaphore(%run_scoped3A : memref<!tpu.dma_semaphore, #tpu.memory_space<semaphore_mem>>) src(%dma_wait3A_40 : memref<640x16xf32, #tpu.memory_space<vmem_shared>>) dst(%dma_wait3A : memref<640x16xf32, #tpu.memory_space<hbm>>)
      tpu.yield
    }) : () -> ()
    return
  }
}

#map = affine_map<(d0, d1) -> (0, 0)>
#map1 = affine_map<(d0, d1) -> (0, 0, 0)>
module attributes {stable_mosaic.version = 14 : i64} {
  func.func @_agg_kernel(%arg0: i32, %arg1: i32, %arg2: memref<20000x64xf32, #tpu.memory_space<hbm>>, %arg3: memref<16x250x80xi32, #tpu.memory_space<hbm>>, %arg4: memref<16x250x80xi32, #tpu.memory_space<hbm>>, %arg5: memref<16x250x80xi32, #tpu.memory_space<hbm>>, %arg6: memref<10240x128xf32, #tpu.memory_space<hbm>>, %arg7: memref<250x80xi32, #tpu.memory_space<vmem>>, %arg8: memref<250x80xi32, #tpu.memory_space<vmem>>, %arg9: memref<80x64xf32, #tpu.memory_space<vmem>>, %arg10: memref<80x64xf32, #tpu.memory_space<vmem>>, %arg11: memref<80x64xf32, #tpu.memory_space<vmem>>, %arg12: memref<80x64xf32, #tpu.memory_space<vmem>>, %arg13: memref<80x64xf32, #tpu.memory_space<vmem>>, %arg14: memref<80x64xf32, #tpu.memory_space<vmem>>, %arg15: memref<10240x64xf32, #tpu.memory_space<vmem_shared>>, %arg16: memref<!tpu.dma_semaphore, #tpu.memory_space<semaphore_mem>>, %arg17: memref<!tpu.dma_semaphore, #tpu.memory_space<semaphore_mem>>, %arg18: memref<!tpu.dma_semaphore, #tpu.memory_space<semaphore_mem>>, %arg19: memref<!tpu.dma_semaphore, #tpu.memory_space<semaphore_mem>>, %arg20: memref<!tpu.dma_semaphore, #tpu.memory_space<semaphore_mem>>, %arg21: memref<!tpu.dma_semaphore, #tpu.memory_space<semaphore_mem>>, %arg22: memref<!tpu.dma_semaphore, #tpu.memory_space<semaphore_mem>>, %arg23: memref<!tpu.dma_semaphore, #tpu.memory_space<semaphore_mem>>, %arg24: memref<!tpu.dma_semaphore, #tpu.memory_space<semaphore_mem>>, %arg25: memref<!tpu.dma_semaphore, #tpu.memory_space<semaphore_mem>>, %arg26: memref<!tpu.dma_semaphore, #tpu.memory_space<semaphore_mem>>) attributes {dimension_semantics = [#tpu.dimension_semantics<core_parallel>, #tpu.dimension_semantics<subcore_parallel>], iteration_bounds = array<i64: 2, 16>, scalar_prefetch = 0 : i64, scratch_operands = 20 : i64, tpu.core_type = #tpu.core_type<sc_vector_subcore>, window_params = [{transform_indices = #map}, {transform_indices = #map1}, {transform_indices = #map1}, {transform_indices = #map1}, {transform_indices = #map}]} {
    %eq3A = arith.constant 0 : i32
    %eq3A_0 = arith.cmpi eq, %arg0, %eq3A : i32
    %convert_element_type3A = arith.extui %eq3A_0 : i1 to i32
    %cond3A = arith.constant 0 : i32
    %cond3A_1 = arith.cmpi ne, %convert_element_type3A, %cond3A : i32
    scf.if %cond3A_1 {
      "tpu.region"() ({
        %run_scoped3A = tpu.sem_alloc : memref<!tpu.dma_semaphore, #tpu.memory_space<semaphore_mem>>
        %dma_start3A_97 = arith.constant 0 : i32
        %dma_start3A_98 = arith.constant 0 : i32
        %dma_start3A_99 = tpu.memref_slice %arg3[%arg1, %dma_start3A_97, %dma_start3A_98] : memref<16x250x80xi32, #tpu.memory_space<hbm>> -> memref<1x250x80xi32, #tpu.memory_space<hbm>>
        %dma_start3A_100 = tpu.memref_squeeze %dma_start3A_99 : memref<1x250x80xi32, #tpu.memory_space<hbm>> -> memref<250x80xi32, #tpu.memory_space<hbm>>
        %dma_start3A_101 = arith.constant 0 : i32
        %dma_start3A_102 = arith.constant 0 : i32
        %dma_start3A_103 = tpu.memref_slice %arg3[%arg1, %dma_start3A_101, %dma_start3A_102] : memref<16x250x80xi32, #tpu.memory_space<hbm>> -> memref<1x250x80xi32, #tpu.memory_space<hbm>>
        %dma_start3A_104 = tpu.memref_squeeze %dma_start3A_103 : memref<1x250x80xi32, #tpu.memory_space<hbm>> -> memref<250x80xi32, #tpu.memory_space<hbm>>
        tpu.enqueue_dma source(%dma_start3A_104 : memref<250x80xi32, #tpu.memory_space<hbm>>) target(%arg7 : memref<250x80xi32, #tpu.memory_space<vmem>>) target_semaphore(%run_scoped3A : memref<!tpu.dma_semaphore, #tpu.memory_space<semaphore_mem>>)
        %dma_wait3A_105 = arith.constant 0 : i32
        %dma_wait3A_106 = arith.constant 0 : i32
        %dma_wait3A_107 = tpu.memref_slice %arg3[%arg1, %dma_wait3A_105, %dma_wait3A_106] : memref<16x250x80xi32, #tpu.memory_space<hbm>> -> memref<1x250x80xi32, #tpu.memory_space<hbm>>
        %dma_wait3A_108 = tpu.memref_squeeze %dma_wait3A_107 : memref<1x250x80xi32, #tpu.memory_space<hbm>> -> memref<250x80xi32, #tpu.memory_space<hbm>>
        %dma_wait3A_109 = arith.constant 0 : i32
        %dma_wait3A_110 = arith.constant 0 : i32
        %dma_wait3A_111 = tpu.memref_slice %arg3[%arg1, %dma_wait3A_109, %dma_wait3A_110] : memref<16x250x80xi32, #tpu.memory_space<hbm>> -> memref<1x250x80xi32, #tpu.memory_space<hbm>>
        %dma_wait3A_112 = tpu.memref_squeeze %dma_wait3A_111 : memref<1x250x80xi32, #tpu.memory_space<hbm>> -> memref<250x80xi32, #tpu.memory_space<hbm>>
        tpu.wait_dma2 semaphore(%run_scoped3A : memref<!tpu.dma_semaphore, #tpu.memory_space<semaphore_mem>>) src(%dma_wait3A_112 : memref<250x80xi32, #tpu.memory_space<hbm>>) dst(%arg7 : memref<250x80xi32, #tpu.memory_space<vmem>>)
        tpu.yield
      }) : () -> ()
    } else {
    }
    %eq3A_2 = arith.constant 1 : i32
    %eq3A_3 = arith.cmpi eq, %arg0, %eq3A_2 : i32
    %convert_element_type3A_4 = arith.extui %eq3A_3 : i1 to i32
    %cond3A_5 = arith.constant 0 : i32
    %cond3A_6 = arith.cmpi ne, %convert_element_type3A_4, %cond3A_5 : i32
    scf.if %cond3A_6 {
      "tpu.region"() ({
        %run_scoped3A = tpu.sem_alloc : memref<!tpu.dma_semaphore, #tpu.memory_space<semaphore_mem>>
        %dma_start3A_97 = arith.constant 0 : i32
        %dma_start3A_98 = arith.constant 0 : i32
        %dma_start3A_99 = tpu.memref_slice %arg4[%arg1, %dma_start3A_97, %dma_start3A_98] : memref<16x250x80xi32, #tpu.memory_space<hbm>> -> memref<1x250x80xi32, #tpu.memory_space<hbm>>
        %dma_start3A_100 = tpu.memref_squeeze %dma_start3A_99 : memref<1x250x80xi32, #tpu.memory_space<hbm>> -> memref<250x80xi32, #tpu.memory_space<hbm>>
        %dma_start3A_101 = arith.constant 0 : i32
        %dma_start3A_102 = arith.constant 0 : i32
        %dma_start3A_103 = tpu.memref_slice %arg4[%arg1, %dma_start3A_101, %dma_start3A_102] : memref<16x250x80xi32, #tpu.memory_space<hbm>> -> memref<1x250x80xi32, #tpu.memory_space<hbm>>
        %dma_start3A_104 = tpu.memref_squeeze %dma_start3A_103 : memref<1x250x80xi32, #tpu.memory_space<hbm>> -> memref<250x80xi32, #tpu.memory_space<hbm>>
        tpu.enqueue_dma source(%dma_start3A_104 : memref<250x80xi32, #tpu.memory_space<hbm>>) target(%arg7 : memref<250x80xi32, #tpu.memory_space<vmem>>) target_semaphore(%run_scoped3A : memref<!tpu.dma_semaphore, #tpu.memory_space<semaphore_mem>>)
        %dma_wait3A_105 = arith.constant 0 : i32
        %dma_wait3A_106 = arith.constant 0 : i32
        %dma_wait3A_107 = tpu.memref_slice %arg4[%arg1, %dma_wait3A_105, %dma_wait3A_106] : memref<16x250x80xi32, #tpu.memory_space<hbm>> -> memref<1x250x80xi32, #tpu.memory_space<hbm>>
        %dma_wait3A_108 = tpu.memref_squeeze %dma_wait3A_107 : memref<1x250x80xi32, #tpu.memory_space<hbm>> -> memref<250x80xi32, #tpu.memory_space<hbm>>
        %dma_wait3A_109 = arith.constant 0 : i32
        %dma_wait3A_110 = arith.constant 0 : i32
        %dma_wait3A_111 = tpu.memref_slice %arg4[%arg1, %dma_wait3A_109, %dma_wait3A_110] : memref<16x250x80xi32, #tpu.memory_space<hbm>> -> memref<1x250x80xi32, #tpu.memory_space<hbm>>
        %dma_wait3A_112 = tpu.memref_squeeze %dma_wait3A_111 : memref<1x250x80xi32, #tpu.memory_space<hbm>> -> memref<250x80xi32, #tpu.memory_space<hbm>>
        tpu.wait_dma2 semaphore(%run_scoped3A : memref<!tpu.dma_semaphore, #tpu.memory_space<semaphore_mem>>) src(%dma_wait3A_112 : memref<250x80xi32, #tpu.memory_space<hbm>>) dst(%arg7 : memref<250x80xi32, #tpu.memory_space<vmem>>)
        tpu.yield
      }) : () -> ()
    } else {
    }
    "tpu.region"() ({
      %run_scoped3A = tpu.sem_alloc : memref<!tpu.dma_semaphore, #tpu.memory_space<semaphore_mem>>
      %dma_start3A_97 = arith.constant 0 : i32
      %dma_start3A_98 = arith.constant 0 : i32
      %dma_start3A_99 = tpu.memref_slice %arg5[%arg1, %dma_start3A_97, %dma_start3A_98] : memref<16x250x80xi32, #tpu.memory_space<hbm>> -> memref<1x250x80xi32, #tpu.memory_space<hbm>>
      %dma_start3A_100 = tpu.memref_squeeze %dma_start3A_99 : memref<1x250x80xi32, #tpu.memory_space<hbm>> -> memref<250x80xi32, #tpu.memory_space<hbm>>
      %dma_start3A_101 = arith.constant 0 : i32
      %dma_start3A_102 = arith.constant 0 : i32
      %dma_start3A_103 = tpu.memref_slice %arg5[%arg1, %dma_start3A_101, %dma_start3A_102] : memref<16x250x80xi32, #tpu.memory_space<hbm>> -> memref<1x250x80xi32, #tpu.memory_space<hbm>>
      %dma_start3A_104 = tpu.memref_squeeze %dma_start3A_103 : memref<1x250x80xi32, #tpu.memory_space<hbm>> -> memref<250x80xi32, #tpu.memory_space<hbm>>
      tpu.enqueue_dma source(%dma_start3A_104 : memref<250x80xi32, #tpu.memory_space<hbm>>) target(%arg8 : memref<250x80xi32, #tpu.memory_space<vmem>>) target_semaphore(%run_scoped3A : memref<!tpu.dma_semaphore, #tpu.memory_space<semaphore_mem>>)
      %dma_wait3A_105 = arith.constant 0 : i32
      %dma_wait3A_106 = arith.constant 0 : i32
      %dma_wait3A_107 = tpu.memref_slice %arg5[%arg1, %dma_wait3A_105, %dma_wait3A_106] : memref<16x250x80xi32, #tpu.memory_space<hbm>> -> memref<1x250x80xi32, #tpu.memory_space<hbm>>
      %dma_wait3A_108 = tpu.memref_squeeze %dma_wait3A_107 : memref<1x250x80xi32, #tpu.memory_space<hbm>> -> memref<250x80xi32, #tpu.memory_space<hbm>>
      %dma_wait3A_109 = arith.constant 0 : i32
      %dma_wait3A_110 = arith.constant 0 : i32
      %dma_wait3A_111 = tpu.memref_slice %arg5[%arg1, %dma_wait3A_109, %dma_wait3A_110] : memref<16x250x80xi32, #tpu.memory_space<hbm>> -> memref<1x250x80xi32, #tpu.memory_space<hbm>>
      %dma_wait3A_112 = tpu.memref_squeeze %dma_wait3A_111 : memref<1x250x80xi32, #tpu.memory_space<hbm>> -> memref<250x80xi32, #tpu.memory_space<hbm>>
      tpu.wait_dma2 semaphore(%run_scoped3A : memref<!tpu.dma_semaphore, #tpu.memory_space<semaphore_mem>>) src(%dma_wait3A_112 : memref<250x80xi32, #tpu.memory_space<hbm>>) dst(%arg8 : memref<250x80xi32, #tpu.memory_space<vmem>>)
      tpu.yield
    }) : () -> ()
    %dma_start3A = arith.constant 0 : i32
    %dma_start3A_7 = arith.constant 0 : i32
    %dma_start3A_8 = tpu.memref_slice %arg7[%dma_start3A, %dma_start3A_7] : memref<250x80xi32, #tpu.memory_space<vmem>> -> memref<1x80xi32, #tpu.memory_space<vmem>>
    %dma_start3A_9 = tpu.memref_squeeze %dma_start3A_8 : memref<1x80xi32, #tpu.memory_space<vmem>> -> memref<80xi32, #tpu.memory_space<vmem>>
    %dma_start3A_10 = arith.constant 0 : i32
    %dma_start3A_11 = arith.constant 0 : i32
    %dma_start3A_12 = tpu.memref_slice %arg2[%dma_start3A_10, %dma_start3A_11] : memref<20000x64xf32, #tpu.memory_space<hbm>> -> memref<20000x64xf32, #tpu.memory_space<hbm>>
    tpu.enqueue_indirect_dma source(%dma_start3A_12 : memref<20000x64xf32, #tpu.memory_space<hbm>>) target(%arg9 : memref<80x64xf32, #tpu.memory_space<vmem>>) offsets(%dma_start3A_9 : memref<80xi32, #tpu.memory_space<vmem>>) semaphore(%arg16 : memref<!tpu.dma_semaphore, #tpu.memory_space<semaphore_mem>>)
    %dma_start3A_13 = arith.constant 1 : i32
    %dma_start3A_14 = arith.constant 0 : i32
    %dma_start3A_15 = tpu.memref_slice %arg7[%dma_start3A_13, %dma_start3A_14] : memref<250x80xi32, #tpu.memory_space<vmem>> -> memref<1x80xi32, #tpu.memory_space<vmem>>
    %dma_start3A_16 = tpu.memref_squeeze %dma_start3A_15 : memref<1x80xi32, #tpu.memory_space<vmem>> -> memref<80xi32, #tpu.memory_space<vmem>>
    %dma_start3A_17 = arith.constant 0 : i32
    %dma_start3A_18 = arith.constant 0 : i32
    %dma_start3A_19 = tpu.memref_slice %arg2[%dma_start3A_17, %dma_start3A_18] : memref<20000x64xf32, #tpu.memory_space<hbm>> -> memref<20000x64xf32, #tpu.memory_space<hbm>>
    tpu.enqueue_indirect_dma source(%dma_start3A_19 : memref<20000x64xf32, #tpu.memory_space<hbm>>) target(%arg10 : memref<80x64xf32, #tpu.memory_space<vmem>>) offsets(%dma_start3A_16 : memref<80xi32, #tpu.memory_space<vmem>>) semaphore(%arg17 : memref<!tpu.dma_semaphore, #tpu.memory_space<semaphore_mem>>)
    %dma_start3A_20 = arith.constant 2 : i32
    %dma_start3A_21 = arith.constant 0 : i32
    %dma_start3A_22 = tpu.memref_slice %arg7[%dma_start3A_20, %dma_start3A_21] : memref<250x80xi32, #tpu.memory_space<vmem>> -> memref<1x80xi32, #tpu.memory_space<vmem>>
    %dma_start3A_23 = tpu.memref_squeeze %dma_start3A_22 : memref<1x80xi32, #tpu.memory_space<vmem>> -> memref<80xi32, #tpu.memory_space<vmem>>
    %dma_start3A_24 = arith.constant 0 : i32
    %dma_start3A_25 = arith.constant 0 : i32
    %dma_start3A_26 = tpu.memref_slice %arg2[%dma_start3A_24, %dma_start3A_25] : memref<20000x64xf32, #tpu.memory_space<hbm>> -> memref<20000x64xf32, #tpu.memory_space<hbm>>
    tpu.enqueue_indirect_dma source(%dma_start3A_26 : memref<20000x64xf32, #tpu.memory_space<hbm>>) target(%arg11 : memref<80x64xf32, #tpu.memory_space<vmem>>) offsets(%dma_start3A_23 : memref<80xi32, #tpu.memory_space<vmem>>) semaphore(%arg18 : memref<!tpu.dma_semaphore, #tpu.memory_space<semaphore_mem>>)
    %dma_start3A_27 = arith.constant 3 : i32
    %dma_start3A_28 = arith.constant 0 : i32
    %dma_start3A_29 = tpu.memref_slice %arg7[%dma_start3A_27, %dma_start3A_28] : memref<250x80xi32, #tpu.memory_space<vmem>> -> memref<1x80xi32, #tpu.memory_space<vmem>>
    %dma_start3A_30 = tpu.memref_squeeze %dma_start3A_29 : memref<1x80xi32, #tpu.memory_space<vmem>> -> memref<80xi32, #tpu.memory_space<vmem>>
    %dma_start3A_31 = arith.constant 0 : i32
    %dma_start3A_32 = arith.constant 0 : i32
    %dma_start3A_33 = tpu.memref_slice %arg2[%dma_start3A_31, %dma_start3A_32] : memref<20000x64xf32, #tpu.memory_space<hbm>> -> memref<20000x64xf32, #tpu.memory_space<hbm>>
    tpu.enqueue_indirect_dma source(%dma_start3A_33 : memref<20000x64xf32, #tpu.memory_space<hbm>>) target(%arg12 : memref<80x64xf32, #tpu.memory_space<vmem>>) offsets(%dma_start3A_30 : memref<80xi32, #tpu.memory_space<vmem>>) semaphore(%arg19 : memref<!tpu.dma_semaphore, #tpu.memory_space<semaphore_mem>>)
    %scan3A = arith.constant 0 : i32
    %scan3A_34 = arith.constant 0 : i32
    %scan3A_35 = arith.constant 80 : i32
    %scan3A_36 = arith.addi %scan3A_34, %scan3A_35 : i32
    %scan3A_37 = arith.constant 1 : i32
    scf.for %scan3A_97 = %scan3A_34 to %scan3A_36 step %scan3A_37  : i32 {
      %scan3A_98 = arith.constant 0 : i32
      %scan3A_99 = arith.constant 4 : i32
      %scan3A_100 = arith.addi %scan3A_98, %scan3A_99 : i32
      %scan3A_101 = arith.constant 1 : i32
      scf.for %scan3A_103 = %scan3A_98 to %scan3A_100 step %scan3A_101  : i32 {
        %broadcast_in_dim3A = arith.constant 0.000000e+00 : f32
        %broadcast_in_dim3A_104 = vector.broadcast %broadcast_in_dim3A : f32 to vector<16xf32>
        %mul3A_105 = arith.constant 16 : i32
        %mul3A_106 = arith.muli %scan3A_103, %mul3A_105 : i32
        %swap3A = arith.index_cast %scan3A_97 : i32 to index
        %swap3A_107 = arith.index_cast %mul3A_106 : i32 to index
        %swap3A_108 = tpu.vector_load %arg14[%swap3A, %swap3A_107] {strides = array<i32>} : memref<80x64xf32, #tpu.memory_space<vmem>>, vector<1x16xf32>,
        %swap3A_109 = vector.shape_cast %swap3A_108 : vector<1x16xf32> to vector<16xf32>
        %swap3A_110 = vector.shape_cast %broadcast_in_dim3A_104 : vector<16xf32> to vector<1x16xf32>
        tpu.vector_store %arg14[%swap3A, %swap3A_107], %swap3A_110 {strides = array<i32>} : memref<80x64xf32, #tpu.memory_space<vmem>>, vector<1x16xf32>,
      }
      %scan3A_102 = arith.constant 4 : i32
    }
    %scan3A_38 = arith.constant 80 : i32
    %scan3A_39 = arith.constant 0 : i32
    %scan3A_40 = arith.constant 0 : i32
    %scan3A_41 = arith.constant 8 : i32
    %scan3A_42 = arith.addi %scan3A_40, %scan3A_41 : i32
    %scan3A_43 = arith.constant 1 : i32
    scf.for %scan3A_97 = %scan3A_40 to %scan3A_42 step %scan3A_43  : i32 {
      %mul3A_98 = arith.constant 640 : i32
      %mul3A_99 = arith.muli %arg1, %mul3A_98 : i32
      %mul3A_100 = arith.constant 80 : i32
      %mul3A_101 = arith.muli %scan3A_97, %mul3A_100 : i32
      %add3A = arith.addi %mul3A_99, %mul3A_101 : i32
      %dma_start3A_102 = arith.constant 0 : i32
      %dma_start3A_103 = tpu.memref_slice %arg15[%add3A, %dma_start3A_102] : memref<10240x64xf32, #tpu.memory_space<vmem_shared>> -> memref<80x64xf32, #tpu.memory_space<vmem_shared>>
      %dma_start3A_104 = arith.constant 0 : i32
      %dma_start3A_105 = tpu.memref_slice %arg15[%add3A, %dma_start3A_104] : memref<10240x64xf32, #tpu.memory_space<vmem_shared>> -> memref<80x64xf32, #tpu.memory_space<vmem_shared>>
      tpu.enqueue_dma source(%arg14 : memref<80x64xf32, #tpu.memory_space<vmem>>) target(%dma_start3A_105 : memref<80x64xf32, #tpu.memory_space<vmem_shared>>) target_semaphore(%arg26 : memref<!tpu.dma_semaphore, #tpu.memory_space<semaphore_mem>>)
    }
    %scan3A_44 = arith.constant 8 : i32
    %scan3A_45 = arith.constant 0 : i32
    %scan3A_46 = arith.constant 0 : i32
    %scan3A_47 = arith.constant 8 : i32
    %scan3A_48 = arith.addi %scan3A_46, %scan3A_47 : i32
    %scan3A_49 = arith.constant 1 : i32
    scf.for %scan3A_97 = %scan3A_46 to %scan3A_48 step %scan3A_49  : i32 {
      %mul3A_98 = arith.constant 640 : i32
      %mul3A_99 = arith.muli %arg1, %mul3A_98 : i32
      %dma_wait3A_100 = arith.constant 0 : i32
      %dma_wait3A_101 = tpu.memref_slice %arg15[%mul3A_99, %dma_wait3A_100] : memref<10240x64xf32, #tpu.memory_space<vmem_shared>> -> memref<80x64xf32, #tpu.memory_space<vmem_shared>>
      %dma_wait3A_102 = arith.constant 0 : i32
      %dma_wait3A_103 = tpu.memref_slice %arg15[%mul3A_99, %dma_wait3A_102] : memref<10240x64xf32, #tpu.memory_space<vmem_shared>> -> memref<80x64xf32, #tpu.memory_space<vmem_shared>>
      tpu.wait_dma2 semaphore(%arg26 : memref<!tpu.dma_semaphore, #tpu.memory_space<semaphore_mem>>) src(%arg14 : memref<80x64xf32, #tpu.memory_space<vmem>>) dst(%dma_wait3A_103 : memref<80x64xf32, #tpu.memory_space<vmem_shared>>)
    }
    %scan3A_50 = arith.constant 8 : i32
    %barrier3A = arith.constant 0 : index
    tpu.barrier barrier_id(%barrier3A)
    %scan3A_51 = arith.constant 0 : i32
    %scan3A_52 = arith.constant 0 : i32
    %scan3A_53 = arith.constant 50 : i32
    %scan3A_54 = arith.addi %scan3A_52, %scan3A_53 : i32
    %scan3A_55 = arith.constant 1 : i32
    scf.for %scan3A_97 = %scan3A_52 to %scan3A_54 step %scan3A_55  : i32 {
      %mul3A_98 = arith.constant 5 : i32
      %mul3A_99 = arith.muli %mul3A_98, %scan3A_97 : i32
      %add3A = arith.constant 0 : i32
      %add3A_100 = arith.addi %mul3A_99, %add3A : i32
      %dma_wait3A_101 = arith.constant 0 : i32
      %dma_wait3A_102 = tpu.memref_slice %arg7[%add3A_100, %dma_wait3A_101] : memref<250x80xi32, #tpu.memory_space<vmem>> -> memref<1x80xi32, #tpu.memory_space<vmem>>
      %dma_wait3A_103 = tpu.memref_squeeze %dma_wait3A_102 : memref<1x80xi32, #tpu.memory_space<vmem>> -> memref<80xi32, #tpu.memory_space<vmem>>
      %dma_wait3A_104 = arith.constant 0 : i32
      %dma_wait3A_105 = arith.constant 0 : i32
      %dma_wait3A_106 = tpu.memref_slice %arg2[%dma_wait3A_104, %dma_wait3A_105] : memref<20000x64xf32, #tpu.memory_space<hbm>> -> memref<20000x64xf32, #tpu.memory_space<hbm>>
      tpu.wait_indirect_dma semaphore(%arg16 : memref<!tpu.dma_semaphore, #tpu.memory_space<semaphore_mem>>) src(%dma_wait3A_106 : memref<20000x64xf32, #tpu.memory_space<hbm>>) dst(%arg9 : memref<80x64xf32, #tpu.memory_space<vmem>>)
      %dma_start3A_107 = arith.constant 0 : i32
      %dma_start3A_108 = tpu.memref_slice %arg8[%add3A_100, %dma_start3A_107] : memref<250x80xi32, #tpu.memory_space<vmem>> -> memref<1x80xi32, #tpu.memory_space<vmem>>
      %dma_start3A_109 = tpu.memref_squeeze %dma_start3A_108 : memref<1x80xi32, #tpu.memory_space<vmem>> -> memref<80xi32, #tpu.memory_space<vmem>>
      %dma_start3A_110 = arith.constant 0 : i32
      %dma_start3A_111 = arith.constant 0 : i32
      %dma_start3A_112 = tpu.memref_slice %arg15[%dma_start3A_110, %dma_start3A_111] : memref<10240x64xf32, #tpu.memory_space<vmem_shared>> -> memref<10240x64xf32, #tpu.memory_space<vmem_shared>>
      tpu.enqueue_indirect_dma source(%arg9 : memref<80x64xf32, #tpu.memory_space<vmem>>) target(%dma_start3A_112 : memref<10240x64xf32, #tpu.memory_space<vmem_shared>>) offsets(%dma_start3A_109 : memref<80xi32, #tpu.memory_space<vmem>>) semaphore(%arg21 : memref<!tpu.dma_semaphore, #tpu.memory_space<semaphore_mem>>) {add = true}
      %ge3A = arith.constant 1 : i32
      %ge3A_113 = arith.cmpi sge, %scan3A_97, %ge3A : i32
      %convert_element_type3A_114 = arith.extui %ge3A_113 : i1 to i32
      %cond3A_115 = arith.constant 0 : i32
      %cond3A_116 = arith.cmpi ne, %convert_element_type3A_114, %cond3A_115 : i32
      scf.if %cond3A_116 {
        %dma_wait3A_209 = arith.constant 0 : i32
        %dma_wait3A_210 = tpu.memref_slice %arg8[%add3A_100, %dma_wait3A_209] : memref<250x80xi32, #tpu.memory_space<vmem>> -> memref<1x80xi32, #tpu.memory_space<vmem>>
        %dma_wait3A_211 = tpu.memref_squeeze %dma_wait3A_210 : memref<1x80xi32, #tpu.memory_space<vmem>> -> memref<80xi32, #tpu.memory_space<vmem>>
        %dma_wait3A_212 = arith.constant 0 : i32
        %dma_wait3A_213 = arith.constant 0 : i32
        %dma_wait3A_214 = tpu.memref_slice %arg15[%dma_wait3A_212, %dma_wait3A_213] : memref<10240x64xf32, #tpu.memory_space<vmem_shared>> -> memref<10240x64xf32, #tpu.memory_space<vmem_shared>>
        tpu.wait_indirect_dma semaphore(%arg25 : memref<!tpu.dma_semaphore, #tpu.memory_space<semaphore_mem>>) src(%arg13 : memref<80x64xf32, #tpu.memory_space<vmem>>) dst(%dma_wait3A_214 : memref<10240x64xf32, #tpu.memory_space<vmem_shared>>)
      } else {
      }
      %add3A_117 = arith.constant 5 : i32
      %add3A_118 = arith.addi %add3A_100, %add3A_117 : i32
      %sub3A = arith.constant 1 : i32
      %sub3A_119 = arith.subi %add3A_118, %sub3A : i32
      %dma_start3A_120 = arith.constant 0 : i32
      %dma_start3A_121 = tpu.memref_slice %arg7[%sub3A_119, %dma_start3A_120] : memref<250x80xi32, #tpu.memory_space<vmem>> -> memref<1x80xi32, #tpu.memory_space<vmem>>
      %dma_start3A_122 = tpu.memref_squeeze %dma_start3A_121 : memref<1x80xi32, #tpu.memory_space<vmem>> -> memref<80xi32, #tpu.memory_space<vmem>>
      %dma_start3A_123 = arith.constant 0 : i32
      %dma_start3A_124 = arith.constant 0 : i32
      %dma_start3A_125 = tpu.memref_slice %arg2[%dma_start3A_123, %dma_start3A_124] : memref<20000x64xf32, #tpu.memory_space<hbm>> -> memref<20000x64xf32, #tpu.memory_space<hbm>>
      tpu.enqueue_indirect_dma source(%dma_start3A_125 : memref<20000x64xf32, #tpu.memory_space<hbm>>) target(%arg13 : memref<80x64xf32, #tpu.memory_space<vmem>>) offsets(%dma_start3A_122 : memref<80xi32, #tpu.memory_space<vmem>>) semaphore(%arg20 : memref<!tpu.dma_semaphore, #tpu.memory_space<semaphore_mem>>)
      %mul3A_126 = arith.constant 5 : i32
      %mul3A_127 = arith.muli %mul3A_126, %scan3A_97 : i32
      %add3A_128 = arith.constant 1 : i32
      %add3A_129 = arith.addi %mul3A_127, %add3A_128 : i32
      %dma_wait3A_130 = arith.constant 0 : i32
      %dma_wait3A_131 = tpu.memref_slice %arg7[%add3A_129, %dma_wait3A_130] : memref<250x80xi32, #tpu.memory_space<vmem>> -> memref<1x80xi32, #tpu.memory_space<vmem>>
      %dma_wait3A_132 = tpu.memref_squeeze %dma_wait3A_131 : memref<1x80xi32, #tpu.memory_space<vmem>> -> memref<80xi32, #tpu.memory_space<vmem>>
      %dma_wait3A_133 = arith.constant 0 : i32
      %dma_wait3A_134 = arith.constant 0 : i32
      %dma_wait3A_135 = tpu.memref_slice %arg2[%dma_wait3A_133, %dma_wait3A_134] : memref<20000x64xf32, #tpu.memory_space<hbm>> -> memref<20000x64xf32, #tpu.memory_space<hbm>>
      tpu.wait_indirect_dma semaphore(%arg17 : memref<!tpu.dma_semaphore, #tpu.memory_space<semaphore_mem>>) src(%dma_wait3A_135 : memref<20000x64xf32, #tpu.memory_space<hbm>>) dst(%arg10 : memref<80x64xf32, #tpu.memory_space<vmem>>)
      %dma_start3A_136 = arith.constant 0 : i32
      %dma_start3A_137 = tpu.memref_slice %arg8[%add3A_129, %dma_start3A_136] : memref<250x80xi32, #tpu.memory_space<vmem>> -> memref<1x80xi32, #tpu.memory_space<vmem>>
      %dma_start3A_138 = tpu.memref_squeeze %dma_start3A_137 : memref<1x80xi32, #tpu.memory_space<vmem>> -> memref<80xi32, #tpu.memory_space<vmem>>
      %dma_start3A_139 = arith.constant 0 : i32
      %dma_start3A_140 = arith.constant 0 : i32
      %dma_start3A_141 = tpu.memref_slice %arg15[%dma_start3A_139, %dma_start3A_140] : memref<10240x64xf32, #tpu.memory_space<vmem_shared>> -> memref<10240x64xf32, #tpu.memory_space<vmem_shared>>
      tpu.enqueue_indirect_dma source(%arg10 : memref<80x64xf32, #tpu.memory_space<vmem>>) target(%dma_start3A_141 : memref<10240x64xf32, #tpu.memory_space<vmem_shared>>) offsets(%dma_start3A_138 : memref<80xi32, #tpu.memory_space<vmem>>) semaphore(%arg22 : memref<!tpu.dma_semaphore, #tpu.memory_space<semaphore_mem>>) {add = true}
      %lt3A = arith.constant 49 : i32
      %lt3A_142 = arith.cmpi slt, %scan3A_97, %lt3A : i32
      %convert_element_type3A_143 = arith.extui %lt3A_142 : i1 to i32
      %cond3A_144 = arith.constant 0 : i32
      %cond3A_145 = arith.cmpi ne, %convert_element_type3A_143, %cond3A_144 : i32
      scf.if %cond3A_145 {
        %dma_wait3A_209 = arith.constant 0 : i32
        %dma_wait3A_210 = tpu.memref_slice %arg8[%add3A_129, %dma_wait3A_209] : memref<250x80xi32, #tpu.memory_space<vmem>> -> memref<1x80xi32, #tpu.memory_space<vmem>>
        %dma_wait3A_211 = tpu.memref_squeeze %dma_wait3A_210 : memref<1x80xi32, #tpu.memory_space<vmem>> -> memref<80xi32, #tpu.memory_space<vmem>>
        %dma_wait3A_212 = arith.constant 0 : i32
        %dma_wait3A_213 = arith.constant 0 : i32
        %dma_wait3A_214 = tpu.memref_slice %arg15[%dma_wait3A_212, %dma_wait3A_213] : memref<10240x64xf32, #tpu.memory_space<vmem_shared>> -> memref<10240x64xf32, #tpu.memory_space<vmem_shared>>
        tpu.wait_indirect_dma semaphore(%arg21 : memref<!tpu.dma_semaphore, #tpu.memory_space<semaphore_mem>>) src(%arg9 : memref<80x64xf32, #tpu.memory_space<vmem>>) dst(%dma_wait3A_214 : memref<10240x64xf32, #tpu.memory_space<vmem_shared>>)
        %add3A_215 = arith.constant 5 : i32
        %add3A_216 = arith.addi %add3A_129, %add3A_215 : i32
        %sub3A_217 = arith.constant 1 : i32
        %sub3A_218 = arith.subi %add3A_216, %sub3A_217 : i32
        %dma_start3A_219 = arith.constant 0 : i32
        %dma_start3A_220 = tpu.memref_slice %arg7[%sub3A_218, %dma_start3A_219] : memref<250x80xi32, #tpu.memory_space<vmem>> -> memref<1x80xi32, #tpu.memory_space<vmem>>
        %dma_start3A_221 = tpu.memref_squeeze %dma_start3A_220 : memref<1x80xi32, #tpu.memory_space<vmem>> -> memref<80xi32, #tpu.memory_space<vmem>>
        %dma_start3A_222 = arith.constant 0 : i32
        %dma_start3A_223 = arith.constant 0 : i32
        %dma_start3A_224 = tpu.memref_slice %arg2[%dma_start3A_222, %dma_start3A_223] : memref<20000x64xf32, #tpu.memory_space<hbm>> -> memref<20000x64xf32, #tpu.memory_space<hbm>>
        tpu.enqueue_indirect_dma source(%dma_start3A_224 : memref<20000x64xf32, #tpu.memory_space<hbm>>) target(%arg9 : memref<80x64xf32, #tpu.memory_space<vmem>>) offsets(%dma_start3A_221 : memref<80xi32, #tpu.memory_space<vmem>>) semaphore(%arg16 : memref<!tpu.dma_semaphore, #tpu.memory_space<semaphore_mem>>)
      } else {
      }
      %mul3A_146 = arith.constant 5 : i32
      %mul3A_147 = arith.muli %mul3A_146, %scan3A_97 : i32
      %add3A_148 = arith.constant 2 : i32
      %add3A_149 = arith.addi %mul3A_147, %add3A_148 : i32
      %dma_wait3A_150 = arith.constant 0 : i32
      %dma_wait3A_151 = tpu.memref_slice %arg7[%add3A_149, %dma_wait3A_150] : memref<250x80xi32, #tpu.memory_space<vmem>> -> memref<1x80xi32, #tpu.memory_space<vmem>>
      %dma_wait3A_152 = tpu.memref_squeeze %dma_wait3A_151 : memref<1x80xi32, #tpu.memory_space<vmem>> -> memref<80xi32, #tpu.memory_space<vmem>>
      %dma_wait3A_153 = arith.constant 0 : i32
      %dma_wait3A_154 = arith.constant 0 : i32
      %dma_wait3A_155 = tpu.memref_slice %arg2[%dma_wait3A_153, %dma_wait3A_154] : memref<20000x64xf32, #tpu.memory_space<hbm>> -> memref<20000x64xf32, #tpu.memory_space<hbm>>
      tpu.wait_indirect_dma semaphore(%arg18 : memref<!tpu.dma_semaphore, #tpu.memory_space<semaphore_mem>>) src(%dma_wait3A_155 : memref<20000x64xf32, #tpu.memory_space<hbm>>) dst(%arg11 : memref<80x64xf32, #tpu.memory_space<vmem>>)
      %dma_start3A_156 = arith.constant 0 : i32
      %dma_start3A_157 = tpu.memref_slice %arg8[%add3A_149, %dma_start3A_156] : memref<250x80xi32, #tpu.memory_space<vmem>> -> memref<1x80xi32, #tpu.memory_space<vmem>>
      %dma_start3A_158 = tpu.memref_squeeze %dma_start3A_157 : memref<1x80xi32, #tpu.memory_space<vmem>> -> memref<80xi32, #tpu.memory_space<vmem>>
      %dma_start3A_159 = arith.constant 0 : i32
      %dma_start3A_160 = arith.constant 0 : i32
      %dma_start3A_161 = tpu.memref_slice %arg15[%dma_start3A_159, %dma_start3A_160] : memref<10240x64xf32, #tpu.memory_space<vmem_shared>> -> memref<10240x64xf32, #tpu.memory_space<vmem_shared>>
      tpu.enqueue_indirect_dma source(%arg11 : memref<80x64xf32, #tpu.memory_space<vmem>>) target(%dma_start3A_161 : memref<10240x64xf32, #tpu.memory_space<vmem_shared>>) offsets(%dma_start3A_158 : memref<80xi32, #tpu.memory_space<vmem>>) semaphore(%arg23 : memref<!tpu.dma_semaphore, #tpu.memory_space<semaphore_mem>>) {add = true}
      %lt3A_162 = arith.constant 49 : i32
      %lt3A_163 = arith.cmpi slt, %scan3A_97, %lt3A_162 : i32
      %convert_element_type3A_164 = arith.extui %lt3A_163 : i1 to i32
      %cond3A_165 = arith.constant 0 : i32
      %cond3A_166 = arith.cmpi ne, %convert_element_type3A_164, %cond3A_165 : i32
      scf.if %cond3A_166 {
        %dma_wait3A_209 = arith.constant 0 : i32
        %dma_wait3A_210 = tpu.memref_slice %arg8[%add3A_149, %dma_wait3A_209] : memref<250x80xi32, #tpu.memory_space<vmem>> -> memref<1x80xi32, #tpu.memory_space<vmem>>
        %dma_wait3A_211 = tpu.memref_squeeze %dma_wait3A_210 : memref<1x80xi32, #tpu.memory_space<vmem>> -> memref<80xi32, #tpu.memory_space<vmem>>
        %dma_wait3A_212 = arith.constant 0 : i32
        %dma_wait3A_213 = arith.constant 0 : i32
        %dma_wait3A_214 = tpu.memref_slice %arg15[%dma_wait3A_212, %dma_wait3A_213] : memref<10240x64xf32, #tpu.memory_space<vmem_shared>> -> memref<10240x64xf32, #tpu.memory_space<vmem_shared>>
        tpu.wait_indirect_dma semaphore(%arg22 : memref<!tpu.dma_semaphore, #tpu.memory_space<semaphore_mem>>) src(%arg10 : memref<80x64xf32, #tpu.memory_space<vmem>>) dst(%dma_wait3A_214 : memref<10240x64xf32, #tpu.memory_space<vmem_shared>>)
        %add3A_215 = arith.constant 5 : i32
        %add3A_216 = arith.addi %add3A_149, %add3A_215 : i32
        %sub3A_217 = arith.constant 1 : i32
        %sub3A_218 = arith.subi %add3A_216, %sub3A_217 : i32
        %dma_start3A_219 = arith.constant 0 : i32
        %dma_start3A_220 = tpu.memref_slice %arg7[%sub3A_218, %dma_start3A_219] : memref<250x80xi32, #tpu.memory_space<vmem>> -> memref<1x80xi32, #tpu.memory_space<vmem>>
        %dma_start3A_221 = tpu.memref_squeeze %dma_start3A_220 : memref<1x80xi32, #tpu.memory_space<vmem>> -> memref<80xi32, #tpu.memory_space<vmem>>
        %dma_start3A_222 = arith.constant 0 : i32
        %dma_start3A_223 = arith.constant 0 : i32
        %dma_start3A_224 = tpu.memref_slice %arg2[%dma_start3A_222, %dma_start3A_223] : memref<20000x64xf32, #tpu.memory_space<hbm>> -> memref<20000x64xf32, #tpu.memory_space<hbm>>
        tpu.enqueue_indirect_dma source(%dma_start3A_224 : memref<20000x64xf32, #tpu.memory_space<hbm>>) target(%arg10 : memref<80x64xf32, #tpu.memory_space<vmem>>) offsets(%dma_start3A_221 : memref<80xi32, #tpu.memory_space<vmem>>) semaphore(%arg17 : memref<!tpu.dma_semaphore, #tpu.memory_space<semaphore_mem>>)
      } else {
      }
      %mul3A_167 = arith.constant 5 : i32
      %mul3A_168 = arith.muli %mul3A_167, %scan3A_97 : i32
      %add3A_169 = arith.constant 3 : i32
      %add3A_170 = arith.addi %mul3A_168, %add3A_169 : i32
      %dma_wait3A_171 = arith.constant 0 : i32
      %dma_wait3A_172 = tpu.memref_slice %arg7[%add3A_170, %dma_wait3A_171] : memref<250x80xi32, #tpu.memory_space<vmem>> -> memref<1x80xi32, #tpu.memory_space<vmem>>
      %dma_wait3A_173 = tpu.memref_squeeze %dma_wait3A_172 : memref<1x80xi32, #tpu.memory_space<vmem>> -> memref<80xi32, #tpu.memory_space<vmem>>
      %dma_wait3A_174 = arith.constant 0 : i32
      %dma_wait3A_175 = arith.constant 0 : i32
      %dma_wait3A_176 = tpu.memref_slice %arg2[%dma_wait3A_174, %dma_wait3A_175] : memref<20000x64xf32, #tpu.memory_space<hbm>> -> memref<20000x64xf32, #tpu.memory_space<hbm>>
      tpu.wait_indirect_dma semaphore(%arg19 : memref<!tpu.dma_semaphore, #tpu.memory_space<semaphore_mem>>) src(%dma_wait3A_176 : memref<20000x64xf32, #tpu.memory_space<hbm>>) dst(%arg12 : memref<80x64xf32, #tpu.memory_space<vmem>>)
      %dma_start3A_177 = arith.constant 0 : i32
      %dma_start3A_178 = tpu.memref_slice %arg8[%add3A_170, %dma_start3A_177] : memref<250x80xi32, #tpu.memory_space<vmem>> -> memref<1x80xi32, #tpu.memory_space<vmem>>
      %dma_start3A_179 = tpu.memref_squeeze %dma_start3A_178 : memref<1x80xi32, #tpu.memory_space<vmem>> -> memref<80xi32, #tpu.memory_space<vmem>>
      %dma_start3A_180 = arith.constant 0 : i32
      %dma_start3A_181 = arith.constant 0 : i32
      %dma_start3A_182 = tpu.memref_slice %arg15[%dma_start3A_180, %dma_start3A_181] : memref<10240x64xf32, #tpu.memory_space<vmem_shared>> -> memref<10240x64xf32, #tpu.memory_space<vmem_shared>>
      tpu.enqueue_indirect_dma source(%arg12 : memref<80x64xf32, #tpu.memory_space<vmem>>) target(%dma_start3A_182 : memref<10240x64xf32, #tpu.memory_space<vmem_shared>>) offsets(%dma_start3A_179 : memref<80xi32, #tpu.memory_space<vmem>>) semaphore(%arg24 : memref<!tpu.dma_semaphore, #tpu.memory_space<semaphore_mem>>) {add = true}
      %lt3A_183 = arith.constant 49 : i32
      %lt3A_184 = arith.cmpi slt, %scan3A_97, %lt3A_183 : i32
      %convert_element_type3A_185 = arith.extui %lt3A_184 : i1 to i32
      %cond3A_186 = arith.constant 0 : i32
      %cond3A_187 = arith.cmpi ne, %convert_element_type3A_185, %cond3A_186 : i32
      scf.if %cond3A_187 {
        %dma_wait3A_209 = arith.constant 0 : i32
        %dma_wait3A_210 = tpu.memref_slice %arg8[%add3A_170, %dma_wait3A_209] : memref<250x80xi32, #tpu.memory_space<vmem>> -> memref<1x80xi32, #tpu.memory_space<vmem>>
        %dma_wait3A_211 = tpu.memref_squeeze %dma_wait3A_210 : memref<1x80xi32, #tpu.memory_space<vmem>> -> memref<80xi32, #tpu.memory_space<vmem>>
        %dma_wait3A_212 = arith.constant 0 : i32
        %dma_wait3A_213 = arith.constant 0 : i32
        %dma_wait3A_214 = tpu.memref_slice %arg15[%dma_wait3A_212, %dma_wait3A_213] : memref<10240x64xf32, #tpu.memory_space<vmem_shared>> -> memref<10240x64xf32, #tpu.memory_space<vmem_shared>>
        tpu.wait_indirect_dma semaphore(%arg23 : memref<!tpu.dma_semaphore, #tpu.memory_space<semaphore_mem>>) src(%arg11 : memref<80x64xf32, #tpu.memory_space<vmem>>) dst(%dma_wait3A_214 : memref<10240x64xf32, #tpu.memory_space<vmem_shared>>)
        %add3A_215 = arith.constant 5 : i32
        %add3A_216 = arith.addi %add3A_170, %add3A_215 : i32
        %sub3A_217 = arith.constant 1 : i32
        %sub3A_218 = arith.subi %add3A_216, %sub3A_217 : i32
        %dma_start3A_219 = arith.constant 0 : i32
        %dma_start3A_220 = tpu.memref_slice %arg7[%sub3A_218, %dma_start3A_219] : memref<250x80xi32, #tpu.memory_space<vmem>> -> memref<1x80xi32, #tpu.memory_space<vmem>>
        %dma_start3A_221 = tpu.memref_squeeze %dma_start3A_220 : memref<1x80xi32, #tpu.memory_space<vmem>> -> memref<80xi32, #tpu.memory_space<vmem>>
        %dma_start3A_222 = arith.constant 0 : i32
        %dma_start3A_223 = arith.constant 0 : i32
        %dma_start3A_224 = tpu.memref_slice %arg2[%dma_start3A_222, %dma_start3A_223] : memref<20000x64xf32, #tpu.memory_space<hbm>> -> memref<20000x64xf32, #tpu.memory_space<hbm>>
        tpu.enqueue_indirect_dma source(%dma_start3A_224 : memref<20000x64xf32, #tpu.memory_space<hbm>>) target(%arg11 : memref<80x64xf32, #tpu.memory_space<vmem>>) offsets(%dma_start3A_221 : memref<80xi32, #tpu.memory_space<vmem>>) semaphore(%arg18 : memref<!tpu.dma_semaphore, #tpu.memory_space<semaphore_mem>>)
      } else {
      }
      %mul3A_188 = arith.constant 5 : i32
      %mul3A_189 = arith.muli %mul3A_188, %scan3A_97 : i32
      %add3A_190 = arith.constant 4 : i32
      %add3A_191 = arith.addi %mul3A_189, %add3A_190 : i32
      %dma_wait3A_192 = arith.constant 0 : i32
      %dma_wait3A_193 = tpu.memref_slice %arg7[%add3A_191, %dma_wait3A_192] : memref<250x80xi32, #tpu.memory_space<vmem>> -> memref<1x80xi32, #tpu.memory_space<vmem>>
      %dma_wait3A_194 = tpu.memref_squeeze %dma_wait3A_193 : memref<1x80xi32, #tpu.memory_space<vmem>> -> memref<80xi32, #tpu.memory_space<vmem>>
      %dma_wait3A_195 = arith.constant 0 : i32
      %dma_wait3A_196 = arith.constant 0 : i32
      %dma_wait3A_197 = tpu.memref_slice %arg2[%dma_wait3A_195, %dma_wait3A_196] : memref<20000x64xf32, #tpu.memory_space<hbm>> -> memref<20000x64xf32, #tpu.memory_space<hbm>>
      tpu.wait_indirect_dma semaphore(%arg20 : memref<!tpu.dma_semaphore, #tpu.memory_space<semaphore_mem>>) src(%dma_wait3A_197 : memref<20000x64xf32, #tpu.memory_space<hbm>>) dst(%arg13 : memref<80x64xf32, #tpu.memory_space<vmem>>)
      %dma_start3A_198 = arith.constant 0 : i32
      %dma_start3A_199 = tpu.memref_slice %arg8[%add3A_191, %dma_start3A_198] : memref<250x80xi32, #tpu.memory_space<vmem>> -> memref<1x80xi32, #tpu.memory_space<vmem>>
      %dma_start3A_200 = tpu.memref_squeeze %dma_start3A_199 : memref<1x80xi32, #tpu.memory_space<vmem>> -> memref<80xi32, #tpu.memory_space<vmem>>
      %dma_start3A_201 = arith.constant 0 : i32
      %dma_start3A_202 = arith.constant 0 : i32
      %dma_start3A_203 = tpu.memref_slice %arg15[%dma_start3A_201, %dma_start3A_202] : memref<10240x64xf32, #tpu.memory_space<vmem_shared>> -> memref<10240x64xf32, #tpu.memory_space<vmem_shared>>
      tpu.enqueue_indirect_dma source(%arg13 : memref<80x64xf32, #tpu.memory_space<vmem>>) target(%dma_start3A_203 : memref<10240x64xf32, #tpu.memory_space<vmem_shared>>) offsets(%dma_start3A_200 : memref<80xi32, #tpu.memory_space<vmem>>) semaphore(%arg25 : memref<!tpu.dma_semaphore, #tpu.memory_space<semaphore_mem>>) {add = true}
      %lt3A_204 = arith.constant 49 : i32
      %lt3A_205 = arith.cmpi slt, %scan3A_97, %lt3A_204 : i32
      %convert_element_type3A_206 = arith.extui %lt3A_205 : i1 to i32
      %cond3A_207 = arith.constant 0 : i32
      %cond3A_208 = arith.cmpi ne, %convert_element_type3A_206, %cond3A_207 : i32
      scf.if %cond3A_208 {
        %dma_wait3A_209 = arith.constant 0 : i32
        %dma_wait3A_210 = tpu.memref_slice %arg8[%add3A_191, %dma_wait3A_209] : memref<250x80xi32, #tpu.memory_space<vmem>> -> memref<1x80xi32, #tpu.memory_space<vmem>>
        %dma_wait3A_211 = tpu.memref_squeeze %dma_wait3A_210 : memref<1x80xi32, #tpu.memory_space<vmem>> -> memref<80xi32, #tpu.memory_space<vmem>>
        %dma_wait3A_212 = arith.constant 0 : i32
        %dma_wait3A_213 = arith.constant 0 : i32
        %dma_wait3A_214 = tpu.memref_slice %arg15[%dma_wait3A_212, %dma_wait3A_213] : memref<10240x64xf32, #tpu.memory_space<vmem_shared>> -> memref<10240x64xf32, #tpu.memory_space<vmem_shared>>
        tpu.wait_indirect_dma semaphore(%arg24 : memref<!tpu.dma_semaphore, #tpu.memory_space<semaphore_mem>>) src(%arg12 : memref<80x64xf32, #tpu.memory_space<vmem>>) dst(%dma_wait3A_214 : memref<10240x64xf32, #tpu.memory_space<vmem_shared>>)
        %add3A_215 = arith.constant 5 : i32
        %add3A_216 = arith.addi %add3A_191, %add3A_215 : i32
        %sub3A_217 = arith.constant 1 : i32
        %sub3A_218 = arith.subi %add3A_216, %sub3A_217 : i32
        %dma_start3A_219 = arith.constant 0 : i32
        %dma_start3A_220 = tpu.memref_slice %arg7[%sub3A_218, %dma_start3A_219] : memref<250x80xi32, #tpu.memory_space<vmem>> -> memref<1x80xi32, #tpu.memory_space<vmem>>
        %dma_start3A_221 = tpu.memref_squeeze %dma_start3A_220 : memref<1x80xi32, #tpu.memory_space<vmem>> -> memref<80xi32, #tpu.memory_space<vmem>>
        %dma_start3A_222 = arith.constant 0 : i32
        %dma_start3A_223 = arith.constant 0 : i32
        %dma_start3A_224 = tpu.memref_slice %arg2[%dma_start3A_222, %dma_start3A_223] : memref<20000x64xf32, #tpu.memory_space<hbm>> -> memref<20000x64xf32, #tpu.memory_space<hbm>>
        tpu.enqueue_indirect_dma source(%dma_start3A_224 : memref<20000x64xf32, #tpu.memory_space<hbm>>) target(%arg12 : memref<80x64xf32, #tpu.memory_space<vmem>>) offsets(%dma_start3A_221 : memref<80xi32, #tpu.memory_space<vmem>>) semaphore(%arg19 : memref<!tpu.dma_semaphore, #tpu.memory_space<semaphore_mem>>)
      } else {
      }
    }
    %scan3A_56 = arith.constant 50 : i32
    %dma_wait3A = arith.constant 0 : i32
    %dma_wait3A_57 = arith.constant 0 : i32
    %dma_wait3A_58 = tpu.memref_slice %arg8[%dma_wait3A, %dma_wait3A_57] : memref<250x80xi32, #tpu.memory_space<vmem>> -> memref<1x80xi32, #tpu.memory_space<vmem>>
    %dma_wait3A_59 = tpu.memref_squeeze %dma_wait3A_58 : memref<1x80xi32, #tpu.memory_space<vmem>> -> memref<80xi32, #tpu.memory_space<vmem>>
    %dma_wait3A_60 = arith.constant 0 : i32
    %dma_wait3A_61 = arith.constant 0 : i32
    %dma_wait3A_62 = tpu.memref_slice %arg15[%dma_wait3A_60, %dma_wait3A_61] : memref<10240x64xf32, #tpu.memory_space<vmem_shared>> -> memref<10240x64xf32, #tpu.memory_space<vmem_shared>>
    tpu.wait_indirect_dma semaphore(%arg21 : memref<!tpu.dma_semaphore, #tpu.memory_space<semaphore_mem>>) src(%arg9 : memref<80x64xf32, #tpu.memory_space<vmem>>) dst(%dma_wait3A_62 : memref<10240x64xf32, #tpu.memory_space<vmem_shared>>)
    %dma_wait3A_63 = arith.constant 0 : i32
    %dma_wait3A_64 = arith.constant 0 : i32
    %dma_wait3A_65 = tpu.memref_slice %arg8[%dma_wait3A_63, %dma_wait3A_64] : memref<250x80xi32, #tpu.memory_space<vmem>> -> memref<1x80xi32, #tpu.memory_space<vmem>>
    %dma_wait3A_66 = tpu.memref_squeeze %dma_wait3A_65 : memref<1x80xi32, #tpu.memory_space<vmem>> -> memref<80xi32, #tpu.memory_space<vmem>>
    %dma_wait3A_67 = arith.constant 0 : i32
    %dma_wait3A_68 = arith.constant 0 : i32
    %dma_wait3A_69 = tpu.memref_slice %arg15[%dma_wait3A_67, %dma_wait3A_68] : memref<10240x64xf32, #tpu.memory_space<vmem_shared>> -> memref<10240x64xf32, #tpu.memory_space<vmem_shared>>
    tpu.wait_indirect_dma semaphore(%arg22 : memref<!tpu.dma_semaphore, #tpu.memory_space<semaphore_mem>>) src(%arg10 : memref<80x64xf32, #tpu.memory_space<vmem>>) dst(%dma_wait3A_69 : memref<10240x64xf32, #tpu.memory_space<vmem_shared>>)
    %dma_wait3A_70 = arith.constant 0 : i32
    %dma_wait3A_71 = arith.constant 0 : i32
    %dma_wait3A_72 = tpu.memref_slice %arg8[%dma_wait3A_70, %dma_wait3A_71] : memref<250x80xi32, #tpu.memory_space<vmem>> -> memref<1x80xi32, #tpu.memory_space<vmem>>
    %dma_wait3A_73 = tpu.memref_squeeze %dma_wait3A_72 : memref<1x80xi32, #tpu.memory_space<vmem>> -> memref<80xi32, #tpu.memory_space<vmem>>
    %dma_wait3A_74 = arith.constant 0 : i32
    %dma_wait3A_75 = arith.constant 0 : i32
    %dma_wait3A_76 = tpu.memref_slice %arg15[%dma_wait3A_74, %dma_wait3A_75] : memref<10240x64xf32, #tpu.memory_space<vmem_shared>> -> memref<10240x64xf32, #tpu.memory_space<vmem_shared>>
    tpu.wait_indirect_dma semaphore(%arg23 : memref<!tpu.dma_semaphore, #tpu.memory_space<semaphore_mem>>) src(%arg11 : memref<80x64xf32, #tpu.memory_space<vmem>>) dst(%dma_wait3A_76 : memref<10240x64xf32, #tpu.memory_space<vmem_shared>>)
    %dma_wait3A_77 = arith.constant 0 : i32
    %dma_wait3A_78 = arith.constant 0 : i32
    %dma_wait3A_79 = tpu.memref_slice %arg8[%dma_wait3A_77, %dma_wait3A_78] : memref<250x80xi32, #tpu.memory_space<vmem>> -> memref<1x80xi32, #tpu.memory_space<vmem>>
    %dma_wait3A_80 = tpu.memref_squeeze %dma_wait3A_79 : memref<1x80xi32, #tpu.memory_space<vmem>> -> memref<80xi32, #tpu.memory_space<vmem>>
    %dma_wait3A_81 = arith.constant 0 : i32
    %dma_wait3A_82 = arith.constant 0 : i32
    %dma_wait3A_83 = tpu.memref_slice %arg15[%dma_wait3A_81, %dma_wait3A_82] : memref<10240x64xf32, #tpu.memory_space<vmem_shared>> -> memref<10240x64xf32, #tpu.memory_space<vmem_shared>>
    tpu.wait_indirect_dma semaphore(%arg24 : memref<!tpu.dma_semaphore, #tpu.memory_space<semaphore_mem>>) src(%arg12 : memref<80x64xf32, #tpu.memory_space<vmem>>) dst(%dma_wait3A_83 : memref<10240x64xf32, #tpu.memory_space<vmem_shared>>)
    %dma_wait3A_84 = arith.constant 0 : i32
    %dma_wait3A_85 = arith.constant 0 : i32
    %dma_wait3A_86 = tpu.memref_slice %arg8[%dma_wait3A_84, %dma_wait3A_85] : memref<250x80xi32, #tpu.memory_space<vmem>> -> memref<1x80xi32, #tpu.memory_space<vmem>>
    %dma_wait3A_87 = tpu.memref_squeeze %dma_wait3A_86 : memref<1x80xi32, #tpu.memory_space<vmem>> -> memref<80xi32, #tpu.memory_space<vmem>>
    %dma_wait3A_88 = arith.constant 0 : i32
    %dma_wait3A_89 = arith.constant 0 : i32
    %dma_wait3A_90 = tpu.memref_slice %arg15[%dma_wait3A_88, %dma_wait3A_89] : memref<10240x64xf32, #tpu.memory_space<vmem_shared>> -> memref<10240x64xf32, #tpu.memory_space<vmem_shared>>
    tpu.wait_indirect_dma semaphore(%arg25 : memref<!tpu.dma_semaphore, #tpu.memory_space<semaphore_mem>>) src(%arg13 : memref<80x64xf32, #tpu.memory_space<vmem>>) dst(%dma_wait3A_90 : memref<10240x64xf32, #tpu.memory_space<vmem_shared>>)
    %barrier3A_91 = arith.constant 0 : index
    tpu.barrier barrier_id(%barrier3A_91)
    %mul3A = arith.constant 640 : i32
    %mul3A_92 = arith.muli %arg1, %mul3A : i32
    %mul3A_93 = arith.constant 640 : i32
    %mul3A_94 = arith.muli %arg1, %mul3A_93 : i32
    %mul3A_95 = arith.constant 64 : i32
    %mul3A_96 = arith.muli %arg0, %mul3A_95 : i32
    "tpu.region"() ({
      %run_scoped3A = tpu.sem_alloc : memref<!tpu.dma_semaphore, #tpu.memory_space<semaphore_mem>>
      %dma_start3A_97 = tpu.memref_slice %arg6[%mul3A_94, %mul3A_96] : memref<10240x128xf32, #tpu.memory_space<hbm>> -> memref<640x64xf32, #tpu.memory_space<hbm>>
      %dma_start3A_98 = arith.constant 0 : i32
      %dma_start3A_99 = tpu.memref_slice %arg15[%mul3A_92, %dma_start3A_98] : memref<10240x64xf32, #tpu.memory_space<vmem_shared>> -> memref<640x64xf32, #tpu.memory_space<vmem_shared>>
      tpu.enqueue_dma source(%dma_start3A_99 : memref<640x64xf32, #tpu.memory_space<vmem_shared>>) target(%dma_start3A_97 : memref<640x64xf32, #tpu.memory_space<hbm>>) target_semaphore(%run_scoped3A : memref<!tpu.dma_semaphore, #tpu.memory_space<semaphore_mem>>)
      %dma_wait3A_100 = tpu.memref_slice %arg6[%mul3A_94, %mul3A_96] : memref<10240x128xf32, #tpu.memory_space<hbm>> -> memref<640x64xf32, #tpu.memory_space<hbm>>
      %dma_wait3A_101 = arith.constant 0 : i32
      %dma_wait3A_102 = tpu.memref_slice %arg15[%mul3A_92, %dma_wait3A_101] : memref<10240x64xf32, #tpu.memory_space<vmem_shared>> -> memref<640x64xf32, #tpu.memory_space<vmem_shared>>
      tpu.wait_dma2 semaphore(%run_scoped3A : memref<!tpu.dma_semaphore, #tpu.memory_space<semaphore_mem>>) src(%dma_wait3A_102 : memref<640x64xf32, #tpu.memory_space<vmem_shared>>) dst(%dma_wait3A_100 : memref<640x64xf32, #tpu.memory_space<hbm>>)
      tpu.yield
    }) : () -> ()
    return
  }
}

module attributes {stable_mosaic.version = 14 : i64} {
  func.func @_mm1_body(%arg0: i32, %arg1: memref<2000x128xf32, #tpu.memory_space<vmem>>, %arg2: memref<128x128xf32, #tpu.memory_space<vmem>>, %arg3: memref<2000x128xf32, #tpu.memory_space<vmem>>, %arg4: memref<2000x128xf32, #tpu.memory_space<vmem>>) attributes {dimension_semantics = [#tpu.dimension_semantics<arbitrary>], iteration_bounds = array<i64: 5>, scalar_prefetch = 0 : i64, scratch_operands = 0 : i64, tpu.core_type = #tpu.core_type<tc>, window_params = [{transform_indices = @transform_0, window_bounds = array<i64: 2000, 128>}, {pipeline_mode = #tpu.pipeline_mode<synchronous>, transform_indices = @transform_1, window_bounds = array<i64: 128, 128>}, {transform_indices = @transform_2, window_bounds = array<i64: 2000, 128>}, {transform_indices = @transform_3, window_bounds = array<i64: 2000, 128>}]} {
    %get3A = arith.constant 0 : index
    %get3A_0 = arith.constant 0 : index
    %get3A_1 = vector.load %arg3[%get3A, %get3A_0] : memref<2000x128xf32, #tpu.memory_space<vmem>>, vector<2000x128xf32>
    %slice3A = vector.extract_strided_slice %get3A_1 {offsets = [0, 0], sizes = [2000, 1], strides = [1, 1]} : vector<2000x128xf32> to vector<2000x1xf32>
    %slice3A_2 = vector.extract_strided_slice %get3A_1 {offsets = [0, 64], sizes = [2000, 1], strides = [1, 1]} : vector<2000x128xf32> to vector<2000x1xf32>
    %add3A = arith.addf %slice3A, %slice3A_2 : vector<2000x1xf32>
    %add3A_3 = arith.constant 1.000000e+00 : f32
    %add3A_4 = vector.broadcast %add3A_3 : f32 to vector<2000x1xf32>
    %add3A_5 = arith.addf %add3A, %add3A_4 : vector<2000x1xf32>
    %rsqrt3A = math.rsqrt %add3A_5 : vector<2000x1xf32>
    %get3A_6 = arith.constant 0 : index
    %get3A_7 = arith.constant 0 : index
    %get3A_8 = vector.load %arg1[%get3A_6, %get3A_7] : memref<2000x128xf32, #tpu.memory_space<vmem>>, vector<2000x128xf32>
    %get3A_9 = arith.constant 0 : index
    %get3A_10 = arith.constant 0 : index
    %get3A_11 = vector.load %arg2[%get3A_9, %get3A_10] : memref<128x128xf32, #tpu.memory_space<vmem>>, vector<128x128xf32>
    %dot_general3A = arith.constant dense<0.000000e+00> : vector<2000x128xf32>
    %dot_general3A_12 = tpu.matmul %get3A_8, %get3A_11, %dot_general3A {dimension_numbers = #tpu.dot_dimension_numbers<[1], [0], [0], [1], [0, 0, 1, 1], [], []>, transpose_lhs_hint = false} : vector<2000x128xf32>, vector<128x128xf32>, vector<2000x128xf32> -> vector<2000x128xf32>
    %mul3A = vector.broadcast %rsqrt3A : vector<2000x1xf32> to vector<2000x128xf32>
    %mul3A_13 = arith.mulf %mul3A, %dot_general3A_12 : vector<2000x128xf32>
    %swap3A = arith.constant 0 : index
    %swap3A_14 = arith.constant 0 : index
    %swap3A_15 = vector.load %arg4[%swap3A, %swap3A_14] : memref<2000x128xf32, #tpu.memory_space<vmem>>, vector<2000x128xf32>
    tpu.vector_store %arg4[%swap3A, %swap3A_14], %mul3A_13 {strides = array<i32>} : memref<2000x128xf32, #tpu.memory_space<vmem>>, vector<2000x128xf32>,
    return
  }
  func.func @transform_0(%arg0: i32) -> (i32, i32) {
    %c0_i32 = arith.constant 0 : i32
    %c0_i32_0 = arith.constant 0 : i32
    return %arg0, %c0_i32 : i32, i32
  }
  func.func @transform_1(%arg0: i32) -> (i32, i32) {
    %c0_i32 = arith.constant 0 : i32
    %c0_i32_0 = arith.constant 0 : i32
    %c0_i32_1 = arith.constant 0 : i32
    return %c0_i32, %c0_i32_0 : i32, i32
  }
  func.func @transform_2(%arg0: i32) -> (i32, i32) {
    %c0_i32 = arith.constant 0 : i32
    %c0_i32_0 = arith.constant 0 : i32
    return %arg0, %c0_i32 : i32, i32
  }
  func.func @transform_3(%arg0: i32) -> (i32, i32) {
    %c0_i32 = arith.constant 0 : i32
    %c0_i32_0 = arith.constant 0 : i32
    return %arg0, %c0_i32 : i32, i32
  }
}

module attributes {stable_mosaic.version = 14 : i64} {
  func.func @_mm2_body(%arg0: i32, %arg1: memref<2000x128xf32, #tpu.memory_space<vmem>>, %arg2: memref<2000x128xf32, #tpu.memory_space<vmem>>, %arg3: memref<2000x128xf32, #tpu.memory_space<vmem>>, %arg4: memref<1x128xf32, #tpu.memory_space<vmem>>, %arg5: memref<128x128xf32, #tpu.memory_space<vmem>>, %arg6: memref<2000x128xf32, #tpu.memory_space<vmem>>) attributes {dimension_semantics = [#tpu.dimension_semantics<arbitrary>], iteration_bounds = array<i64: 5>, scalar_prefetch = 0 : i64, scratch_operands = 0 : i64, tpu.core_type = #tpu.core_type<tc>, window_params = [{transform_indices = @transform_0, window_bounds = array<i64: 2000, 128>}, {transform_indices = @transform_1, window_bounds = array<i64: 2000, 128>}, {transform_indices = @transform_2, window_bounds = array<i64: 2000, 128>}, {pipeline_mode = #tpu.pipeline_mode<synchronous>, transform_indices = @transform_3, window_bounds = array<i64: 1, 128>}, {pipeline_mode = #tpu.pipeline_mode<synchronous>, transform_indices = @transform_4, window_bounds = array<i64: 128, 128>}, {transform_indices = @transform_5, window_bounds = array<i64: 2000, 128>}]} {
    %get3A = arith.constant 0 : index
    %get3A_0 = arith.constant 0 : index
    %get3A_1 = vector.load %arg3[%get3A, %get3A_0] : memref<2000x128xf32, #tpu.memory_space<vmem>>, vector<2000x128xf32>
    %slice3A = vector.extract_strided_slice %get3A_1 {offsets = [0, 0], sizes = [2000, 1], strides = [1, 1]} : vector<2000x128xf32> to vector<2000x1xf32>
    %slice3A_2 = vector.extract_strided_slice %get3A_1 {offsets = [0, 64], sizes = [2000, 1], strides = [1, 1]} : vector<2000x128xf32> to vector<2000x1xf32>
    %add3A = arith.addf %slice3A, %slice3A_2 : vector<2000x1xf32>
    %add3A_3 = arith.constant 1.000000e+00 : f32
    %add3A_4 = vector.broadcast %add3A_3 : f32 to vector<2000x1xf32>
    %add3A_5 = arith.addf %add3A, %add3A_4 : vector<2000x1xf32>
    %rsqrt3A = math.rsqrt %add3A_5 : vector<2000x1xf32>
    %get3A_6 = arith.constant 0 : index
    %get3A_7 = arith.constant 0 : index
    %get3A_8 = vector.load %arg1[%get3A_6, %get3A_7] : memref<2000x128xf32, #tpu.memory_space<vmem>>, vector<2000x128xf32>
    %get3A_9 = arith.constant 0 : index
    %get3A_10 = arith.constant 0 : index
    %get3A_11 = vector.load %arg2[%get3A_9, %get3A_10] : memref<2000x128xf32, #tpu.memory_space<vmem>>, vector<2000x128xf32>
    %add3A_12 = arith.addf %get3A_8, %get3A_11 : vector<2000x128xf32>
    %mul3A = vector.broadcast %rsqrt3A : vector<2000x1xf32> to vector<2000x128xf32>
    %mul3A_13 = arith.mulf %mul3A, %add3A_12 : vector<2000x128xf32>
    %get3A_14 = arith.constant 0 : index
    %get3A_15 = arith.constant 0 : index
    %get3A_16 = vector.load %arg4[%get3A_14, %get3A_15] : memref<1x128xf32, #tpu.memory_space<vmem>>, vector<1x128xf32>
    %add3A_17 = vector.broadcast %get3A_16 : vector<1x128xf32> to vector<2000x128xf32>
    %add3A_18 = arith.addf %mul3A_13, %add3A_17 : vector<2000x128xf32>
    %max3A = arith.constant 0.000000e+00 : f32
    %max3A_19 = vector.broadcast %max3A : f32 to vector<2000x128xf32>
    %max3A_20 = arith.maximumf %add3A_18, %max3A_19 : vector<2000x128xf32>
    %get3A_21 = arith.constant 0 : index
    %get3A_22 = arith.constant 0 : index
    %get3A_23 = vector.load %arg5[%get3A_21, %get3A_22] : memref<128x128xf32, #tpu.memory_space<vmem>>, vector<128x128xf32>
    %dot_general3A = arith.constant dense<0.000000e+00> : vector<2000x128xf32>
    %dot_general3A_24 = tpu.matmul %max3A_20, %get3A_23, %dot_general3A {dimension_numbers = #tpu.dot_dimension_numbers<[1], [0], [0], [1], [0, 0, 1, 1], [], []>, transpose_lhs_hint = false} : vector<2000x128xf32>, vector<128x128xf32>, vector<2000x128xf32> -> vector<2000x128xf32>
    %mul3A_25 = vector.broadcast %rsqrt3A : vector<2000x1xf32> to vector<2000x128xf32>
    %mul3A_26 = arith.mulf %mul3A_25, %dot_general3A_24 : vector<2000x128xf32>
    %swap3A = arith.constant 0 : index
    %swap3A_27 = arith.constant 0 : index
    %swap3A_28 = vector.load %arg6[%swap3A, %swap3A_27] : memref<2000x128xf32, #tpu.memory_space<vmem>>, vector<2000x128xf32>
    tpu.vector_store %arg6[%swap3A, %swap3A_27], %mul3A_26 {strides = array<i32>} : memref<2000x128xf32, #tpu.memory_space<vmem>>, vector<2000x128xf32>,
    return
  }
  func.func @transform_0(%arg0: i32) -> (i32, i32) {
    %c0_i32 = arith.constant 0 : i32
    %c0_i32_0 = arith.constant 0 : i32
    return %arg0, %c0_i32 : i32, i32
  }
  func.func @transform_1(%arg0: i32) -> (i32, i32) {
    %c0_i32 = arith.constant 0 : i32
    %c0_i32_0 = arith.constant 0 : i32
    return %arg0, %c0_i32 : i32, i32
  }
  func.func @transform_2(%arg0: i32) -> (i32, i32) {
    %c0_i32 = arith.constant 0 : i32
    %c0_i32_0 = arith.constant 0 : i32
    return %arg0, %c0_i32 : i32, i32
  }
  func.func @transform_3(%arg0: i32) -> (i32, i32) {
    %c0_i32 = arith.constant 0 : i32
    %c0_i32_0 = arith.constant 0 : i32
    %c0_i32_1 = arith.constant 0 : i32
    return %c0_i32, %c0_i32_0 : i32, i32
  }
  func.func @transform_4(%arg0: i32) -> (i32, i32) {
    %c0_i32 = arith.constant 0 : i32
    %c0_i32_0 = arith.constant 0 : i32
    %c0_i32_1 = arith.constant 0 : i32
    return %c0_i32, %c0_i32_0 : i32, i32
  }
  func.func @transform_5(%arg0: i32) -> (i32, i32) {
    %c0_i32 = arith.constant 0 : i32
    %c0_i32_0 = arith.constant 0 : i32
    return %arg0, %c0_i32 : i32, i32
  }
}

module attributes {stable_mosaic.version = 14 : i64} {
  func.func @_ln_body(%arg0: i32, %arg1: memref<2000x128xf32, #tpu.memory_space<vmem>>, %arg2: memref<2000x128xf32, #tpu.memory_space<vmem>>, %arg3: memref<2000x128xf32, #tpu.memory_space<vmem>>, %arg4: memref<1x128xf32, #tpu.memory_space<vmem>>, %arg5: memref<1x128xf32, #tpu.memory_space<vmem>>, %arg6: memref<1x128xf32, #tpu.memory_space<vmem>>, %arg7: memref<2000x128xf32, #tpu.memory_space<vmem>>) attributes {dimension_semantics = [#tpu.dimension_semantics<arbitrary>], iteration_bounds = array<i64: 5>, scalar_prefetch = 0 : i64, scratch_operands = 0 : i64, tpu.core_type = #tpu.core_type<tc>, window_params = [{transform_indices = @transform_0, window_bounds = array<i64: 2000, 128>}, {transform_indices = @transform_1, window_bounds = array<i64: 2000, 128>}, {transform_indices = @transform_2, window_bounds = array<i64: 2000, 128>}, {pipeline_mode = #tpu.pipeline_mode<synchronous>, transform_indices = @transform_3, window_bounds = array<i64: 1, 128>}, {pipeline_mode = #tpu.pipeline_mode<synchronous>, transform_indices = @transform_4, window_bounds = array<i64: 1, 128>}, {pipeline_mode = #tpu.pipeline_mode<synchronous>, transform_indices = @transform_5, window_bounds = array<i64: 1, 128>}, {transform_indices = @transform_6, window_bounds = array<i64: 2000, 128>}]} {
    %get3A = arith.constant 0 : index
    %get3A_0 = arith.constant 0 : index
    %get3A_1 = vector.load %arg3[%get3A, %get3A_0] : memref<2000x128xf32, #tpu.memory_space<vmem>>, vector<2000x128xf32>
    %slice3A = vector.extract_strided_slice %get3A_1 {offsets = [0, 0], sizes = [2000, 1], strides = [1, 1]} : vector<2000x128xf32> to vector<2000x1xf32>
    %slice3A_2 = vector.extract_strided_slice %get3A_1 {offsets = [0, 64], sizes = [2000, 1], strides = [1, 1]} : vector<2000x128xf32> to vector<2000x1xf32>
    %add3A = arith.addf %slice3A, %slice3A_2 : vector<2000x1xf32>
    %add3A_3 = arith.constant 1.000000e+00 : f32
    %add3A_4 = vector.broadcast %add3A_3 : f32 to vector<2000x1xf32>
    %add3A_5 = arith.addf %add3A, %add3A_4 : vector<2000x1xf32>
    %rsqrt3A = math.rsqrt %add3A_5 : vector<2000x1xf32>
    %get3A_6 = arith.constant 0 : index
    %get3A_7 = arith.constant 0 : index
    %get3A_8 = vector.load %arg1[%get3A_6, %get3A_7] : memref<2000x128xf32, #tpu.memory_space<vmem>>, vector<2000x128xf32>
    %get3A_9 = arith.constant 0 : index
    %get3A_10 = arith.constant 0 : index
    %get3A_11 = vector.load %arg2[%get3A_9, %get3A_10] : memref<2000x128xf32, #tpu.memory_space<vmem>>, vector<2000x128xf32>
    %add3A_12 = arith.addf %get3A_8, %get3A_11 : vector<2000x128xf32>
    %mul3A = vector.broadcast %rsqrt3A : vector<2000x1xf32> to vector<2000x128xf32>
    %mul3A_13 = arith.mulf %mul3A, %add3A_12 : vector<2000x128xf32>
    %get3A_14 = arith.constant 0 : index
    %get3A_15 = arith.constant 0 : index
    %get3A_16 = vector.load %arg4[%get3A_14, %get3A_15] : memref<1x128xf32, #tpu.memory_space<vmem>>, vector<1x128xf32>
    %add3A_17 = vector.broadcast %get3A_16 : vector<1x128xf32> to vector<2000x128xf32>
    %add3A_18 = arith.addf %mul3A_13, %add3A_17 : vector<2000x128xf32>
    %reduce_sum3A = arith.constant dense<0.000000e+00> : vector<2000xf32>
    %reduce_sum3A_19 = vector.multi_reduction <add>, %add3A_18, %reduce_sum3A [1] : vector<2000x128xf32> to vector<2000xf32>
    %broadcast_in_dim3A = vector.shape_cast %reduce_sum3A_19 : vector<2000xf32> to vector<2000x1xf32>
    %div3A = arith.constant 1.280000e+02 : f32
    %div3A_20 = vector.broadcast %div3A : f32 to vector<2000x1xf32>
    %div3A_21 = arith.divf %broadcast_in_dim3A, %div3A_20 : vector<2000x1xf32>
    %sub3A = vector.broadcast %div3A_21 : vector<2000x1xf32> to vector<2000x128xf32>
    %sub3A_22 = arith.subf %add3A_18, %sub3A : vector<2000x128xf32>
    %integer_pow3A = arith.mulf %sub3A_22, %sub3A_22 : vector<2000x128xf32>
    %reduce_sum3A_23 = arith.constant dense<0.000000e+00> : vector<2000xf32>
    %reduce_sum3A_24 = vector.multi_reduction <add>, %integer_pow3A, %reduce_sum3A_23 [1] : vector<2000x128xf32> to vector<2000xf32>
    %broadcast_in_dim3A_25 = vector.shape_cast %reduce_sum3A_24 : vector<2000xf32> to vector<2000x1xf32>
    %div3A_26 = arith.constant 1.280000e+02 : f32
    %div3A_27 = vector.broadcast %div3A_26 : f32 to vector<2000x1xf32>
    %div3A_28 = arith.divf %broadcast_in_dim3A_25, %div3A_27 : vector<2000x1xf32>
    %sub3A_29 = vector.broadcast %div3A_21 : vector<2000x1xf32> to vector<2000x128xf32>
    %sub3A_30 = arith.subf %add3A_18, %sub3A_29 : vector<2000x128xf32>
    %add3A_31 = arith.constant 9.99999974E-6 : f32
    %add3A_32 = vector.broadcast %add3A_31 : f32 to vector<2000x1xf32>
    %add3A_33 = arith.addf %div3A_28, %add3A_32 : vector<2000x1xf32>
    %rsqrt3A_34 = math.rsqrt %add3A_33 : vector<2000x1xf32>
    %mul3A_35 = vector.broadcast %rsqrt3A_34 : vector<2000x1xf32> to vector<2000x128xf32>
    %mul3A_36 = arith.mulf %sub3A_30, %mul3A_35 : vector<2000x128xf32>
    %get3A_37 = arith.constant 0 : index
    %get3A_38 = arith.constant 0 : index
    %get3A_39 = vector.load %arg5[%get3A_37, %get3A_38] : memref<1x128xf32, #tpu.memory_space<vmem>>, vector<1x128xf32>
    %mul3A_40 = vector.broadcast %get3A_39 : vector<1x128xf32> to vector<2000x128xf32>
    %mul3A_41 = arith.mulf %mul3A_36, %mul3A_40 : vector<2000x128xf32>
    %get3A_42 = arith.constant 0 : index
    %get3A_43 = arith.constant 0 : index
    %get3A_44 = vector.load %arg6[%get3A_42, %get3A_43] : memref<1x128xf32, #tpu.memory_space<vmem>>, vector<1x128xf32>
    %add3A_45 = vector.broadcast %get3A_44 : vector<1x128xf32> to vector<2000x128xf32>
    %add3A_46 = arith.addf %mul3A_41, %add3A_45 : vector<2000x128xf32>
    %swap3A = arith.constant 0 : index
    %swap3A_47 = arith.constant 0 : index
    %swap3A_48 = vector.load %arg7[%swap3A, %swap3A_47] : memref<2000x128xf32, #tpu.memory_space<vmem>>, vector<2000x128xf32>
    tpu.vector_store %arg7[%swap3A, %swap3A_47], %add3A_46 {strides = array<i32>} : memref<2000x128xf32, #tpu.memory_space<vmem>>, vector<2000x128xf32>,
    return
  }
  func.func @transform_0(%arg0: i32) -> (i32, i32) {
    %c0_i32 = arith.constant 0 : i32
    %c0_i32_0 = arith.constant 0 : i32
    return %arg0, %c0_i32 : i32, i32
  }
  func.func @transform_1(%arg0: i32) -> (i32, i32) {
    %c0_i32 = arith.constant 0 : i32
    %c0_i32_0 = arith.constant 0 : i32
    return %arg0, %c0_i32 : i32, i32
  }
  func.func @transform_2(%arg0: i32) -> (i32, i32) {
    %c0_i32 = arith.constant 0 : i32
    %c0_i32_0 = arith.constant 0 : i32
    return %arg0, %c0_i32 : i32, i32
  }
  func.func @transform_3(%arg0: i32) -> (i32, i32) {
    %c0_i32 = arith.constant 0 : i32
    %c0_i32_0 = arith.constant 0 : i32
    %c0_i32_1 = arith.constant 0 : i32
    return %c0_i32, %c0_i32_0 : i32, i32
  }
  func.func @transform_4(%arg0: i32) -> (i32, i32) {
    %c0_i32 = arith.constant 0 : i32
    %c0_i32_0 = arith.constant 0 : i32
    %c0_i32_1 = arith.constant 0 : i32
    return %c0_i32, %c0_i32_0 : i32, i32
  }
  func.func @transform_5(%arg0: i32) -> (i32, i32) {
    %c0_i32 = arith.constant 0 : i32
    %c0_i32_0 = arith.constant 0 : i32
    %c0_i32_1 = arith.constant 0 : i32
    return %c0_i32, %c0_i32_0 : i32, i32
  }
  func.func @transform_6(%arg0: i32) -> (i32, i32) {
    %c0_i32 = arith.constant 0 : i32
    %c0_i32_0 = arith.constant 0 : i32
    return %arg0, %c0_i32 : i32, i32
  }
}

</mosaic_0001>

<sc_bundles>
// kernel: kernel.11.cloned.1.call-start
scs
__scs_entry_jumppad:
0x0: {  	(pc) =	sbr.rel $0x88, $3  }
0x1: {  	(tag) =	ssettag $0x0;
	lr =	simm.s32 $0x1  }
0x2: {  	[smem:$0x3F99] =	sst lr;
	_ =	strace $0xD0000000  }
0x3: {  	_ = 	snop  }
0x4: {  	_ = 	snop  }
0x5: {  	_ = 	snop  }
0x6: {  	_ = 	snop  }
0x7: {  	_ = 	snop  }
__scs_overlays_trampoline_lowered:
0x8: {  	[smem:$0x3FA8] =	sst s0  }
0x9: {  	[smem:$0x3FA9] =	sst s1  }
0xa: {  	[smem:$0x3FAA] =	sst s2  }
0xb: {  	[smem:$0x3FAB] =	sst s3  }
0xc: {  	[smem:$0x3FAC] =	sst s4  }
0xd: {  	[smem:$0x3FAD] =	sst s5  }
0xe: {  	[smem:$0x3FAE] =	sst s6  }
0xf: {  	[smem:$0x3FAF] =	sst s7  }
0x10: {  	[smem:$0x3FB0] =	sst s8  }
0x11: {  	[smem:$0x3FB1] =	sst s9;
	s0 =	simm.s32 @!p0 $0x0  }
0x12: {  	s1 =	sld [smem:$0x3F97];
	s0 =	simm.s32 @p0 $0x1  }
0x13: {  	[smem:$0x3FB2] =	sst s0;
	s0 =	simm.s32 @!p1 $0x0  }
0x14: {  	s2 =	sld [smem:$0x3F96];
	s0 =	simm.s32 @p1 $0x1  }
0x15: {  	[smem:$0x3FB3] =	sst s0;
	s0 =	simm.s32 @!p2 $0x0  }
0x16: {  	s3 =	sld [smem:$0x3FDB];
	s0 =	simm.s32 @p2 $0x1  }
0x17: {  	s4 =	simm.s32 $0x1BF5;
	[smem:$0x3FB5] =	sst s0  }
0x18: {  	s0 =	sld [smem:$0x3F98];
	_ =	swait.ge [sflag:s4], $0x0  }
0x19: {  	s7 =	sld [smem:$0x3F99]  }
0x1a: {  	s8 =	sadd.s32 $0xFFFFE003, lr  }
0x1b: {  	s9 =	sadd.s32 $0xFFFFFEF7, lr;
	s5 =	simm.s32 $0xFFFFFFFF;
	p2 =	slt.u32 s8, $0xFFFFF086  }
0x1c: {  	p1 =	slt.u32 s9, $0xF7A;
	s5 =	simm.s32 @!p2 $0x0  }
0x1d: {  	s5 =	simm.s32 @p1 $0x1;
	p0 =	seq.s32 s7, s2  }
0x1e: {  	s7 =	smul.u32 @!p0 $0xF7A, s2;
	p2 =	seq.s32 @!p0 s5, $0x0  }
0x1f: {  	s9 =	smul.u32 $0xF7A, s1;
	s8 =	simm.s32 @!p0 $0x1BF5;
	p2 =	por !p2, p0  }
0x20: {  	[sflag:s8] =	ssyncset.s32 @!p0 $0xFFFFF086;
	s6 =	sadd.s32 @!p0 s3, s7;
	s7 =	simm.s32 @!p0 $0x108  }
0x21: {  	s3 =	sadd.s32 s3, s9;
	s6 =	sadd.s32 @!p0 $0x88, s6;
	s7 =	simm.s32 @p2 $0x1082  }
0x22: {  	[simem:s7], [sflag:s8] =	dma.local @!p0 [hbm:s6], $0xF7A  }
0x23: {  	s9 =	sor.u32 $0xD0000000, s2;
	s6 =	simm.s32 $0x108;
	_ =	swait.ge @!p0 [sflag:s8], $0x0  }
0x24: {  	s3 =	sadd.s32 $0x88, s3;
	s6 =	simm.s32 @!p1 $0x1082;
	[sflag:s4] =	ssyncset.s32 $0xFFFFF086  }
0x25: {  	[simem:s6], [sflag:s4] =	dma.local [hbm:s3], $0xF7A  }
0x26: {  	[smem:$0x3F99] =	sst s1;
	(tag) =	ssettag s2;
	_ =	strace s9  }
0x27: {  	s1 =	sld [smem:$0x3FA9]  }
0x28: {  	s2 =	sld [smem:$0x3FAA]  }
0x29: {  	s4 =	sld [smem:$0x3FAC]  }
0x2a: {  	p0 =	seq.s32 s5, $0x0;
	s5 =	sld [smem:$0x3FAD]  }
0x2b: {  	s6 =	sld [smem:$0x3FAE]  }
0x2c: {  	s7 =	sld [smem:$0x3FAF]  }
0x2d: {  	s3 =	simm.s32 $0x108;
	s8 =	sld [smem:$0x3FB0]  }
0x2e: {  	s3 =	simm.s32 @!p0 $0x1082;
	s9 =	sld [smem:$0x3FB1]  }
0x2f: {  	lr =	sadd.s32 s0, s3;
	s0 =	sld [smem:$0x3FA8]  }
0x30: {  	s3 =	sld [smem:$0x3FAB]  }
0x31: {  	[smem:$0x3FB4] =	sst s10  }
0x32: {  	s10 =	sld [smem:$0x3FB2];
	_ =	sdelay $0x3  }
0x33: {  	p0 =	seq.s32 s10, $0x1;
	s10 =	sld [smem:$0x3FB4];
	_ =	sdelay $0x3  }
0x34: {  	[smem:$0x3FB4] =	sst s10  }
0x35: {  	s10 =	sld [smem:$0x3FB3];
	_ =	sdelay $0x3  }
0x36: {  	p1 =	seq.s32 s10, $0x1;
	s10 =	sld [smem:$0x3FB4];
	_ =	sdelay $0x3  }
0x37: {  	[smem:$0x3FB4] =	sst s10  }
0x38: {  	s10 =	sld [smem:$0x3FB5]  }
0x39: {  	_ = 	snop;
	(pc) =	sbr.ind lr, $3  }
0x3a: {  	_ = 	snop  }
0x3b: {  	_ = 	snop  }
0x3c: {  	p2 =	seq.s32 s10, $0x1;
	s10 =	sld [smem:$0x3FB4]  }
0x3d: {  	_ =	shalt  }
0x3e: {  	_ =	shalt  }
0x3f: {  	_ =	shalt  }
0x40: {  	_ =	shalt  }
0x41: {  	_ =	shalt  }
0x42: {  	_ =	shalt  }
0x43: {  	_ =	shalt  }
0x44: {  	_ =	shalt  }
0x45: {  	_ =	shalt  }
0x46: {  	_ =	shalt  }
0x47: {  	_ =	shalt  }
0x48: {  	_ =	shalt  }
0x49: {  	_ =	shalt  }
0x4a: {  	_ =	shalt  }
0x4b: {  	_ =	shalt  }
0x4c: {  	_ =	shalt  }
0x4d: {  	_ =	shalt  }
0x4e: {  	_ =	shalt  }
0x4f: {  	_ =	shalt  }
0x50: {  	_ =	shalt  }
0x51: {  	_ =	shalt  }
0x52: {  	_ =	shalt  }
0x53: {  	_ =	shalt  }
0x54: {  	_ =	shalt  }
0x55: {  	_ =	shalt  }
0x56: {  	_ =	shalt  }
0x57: {  	_ =	shalt  }
0x58: {  	_ =	shalt  }
0x59: {  	_ =	shalt  }
0x5a: {  	_ =	shalt  }
0x5b: {  	_ =	shalt  }
0x5c: {  	_ =	shalt  }
0x5d: {  	_ =	shalt  }
0x5e: {  	_ =	shalt  }
0x5f: {  	_ =	shalt  }
0x60: {  	_ =	shalt  }
0x61: {  	_ =	shalt  }
0x62: {  	_ =	shalt  }
0x63: {  	_ =	shalt  }
0x64: {  	_ =	shalt  }
0x65: {  	_ =	shalt  }
0x66: {  	_ =	shalt  }
0x67: {  	_ =	shalt  }
0x68: {  	_ =	shalt  }
0x69: {  	_ =	shalt  }
0x6a: {  	_ =	shalt  }
0x6b: {  	_ =	shalt  }
0x6c: {  	_ =	shalt  }
0x6d: {  	_ =	shalt  }
0x6e: {  	_ =	shalt  }
0x6f: {  	_ =	shalt  }
0x70: {  	_ =	shalt  }
0x71: {  	_ =	shalt  }
0x72: {  	_ =	shalt  }
0x73: {  	_ =	shalt  }
0x74: {  	_ =	shalt  }
0x75: {  	_ =	shalt  }
0x76: {  	_ =	shalt  }
0x77: {  	_ =	shalt  }
0x78: {  	_ =	shalt  }
0x79: {  	_ =	shalt  }
0x7a: {  	_ =	shalt  }
0x7b: {  	_ =	shalt  }
0x7c: {  	_ =	shalt  }
0x7d: {  	_ =	shalt  }
0x7e: {  	_ =	shalt  }
0x7f: {  	_ =	shalt  }
0x80: {  	_ =	shalt  }
0x81: {  	_ =	shalt  }
0x82: {  	_ =	shalt  }
0x83: {  	_ =	shalt  }
0x84: {  	_ =	shalt  }
0x85: {  	_ =	shalt  }
0x86: {  	_ =	shalt  }
0x87: {  	_ =	shalt  }
.Lfunc_end0:
.L_simem_size_0:
called_computation.1_lowered:
.L_overlay_start_0:
0x88: {  	s2 =	sld [smem:$0x3FD9]  }
0x89: {  	s3 =	sld [smem:$0x3FFE];
	_ =	sdelay $0x1  }
0x8a: {  	s1 =	srdreg.scid  }
0x8b: {  	s0 =	sand.u32 $0x1, s1  }
0x8c: {  	s17 =	sshll.u32 s0, $0xA;
	s2 =	sadd.s32 s3, s2  }
0x8d: {  	s2 =	sadd.s32 s2, s17  }
0x8e: {  	[smem:$0x3FC0] =	sst s2  }
0x8f: {  	_ = 	snop  }
0x90: {  	s2 =	sld [smem:$0x3FD0];
	(tm) =	ssettm $0x1  }
0x91: {  	s18 =	sld [smem:$0x3FFB];
	_ =	sdelay $0x3  }
0x92: {  	_ =	strace s18  }
0x93: {  	s3 =	sld [smem:$0x3FFC];
	_ =	sdelay $0x3  }
0x94: {  	_ =	strace s3  }
0x95: {  	s3 =	sld [smem:$0x3FFD];
	_ =	sdelay $0x3  }
0x96: {  	_ =	strace s3  }
0x97: {  	_ =	strace $0x8FFFFFFF  }
0x98: {  	s19 =	sld [smem:$0x3FDB];
	_ =	sdelay $0x1  }
0x99: {  	s4 =	simm.s32 $_scs_section_size  }
0x9a: {  	s5 =	simm.s32 $_size__tile_overlayer_lowered;
	s6 =	simm.s32 $_tile_overlayer_lowered  }
0x9b: {  	s22 =	simm.s32 $0x1BFF;
	s21 =	sshll.u32 s6, $0x1;
	s3 =	sadd.s32 s4, s19  }
0x9c: {  	s7 =	simm.s32 $0x0;
	s20 =	sshll.u32 s5, $0x1;
	s5 =	sadd.s32 s21, s3  }
0x9d: {  	[timem:s7], [sflag:s22] =	dma.local [hbm:s5], s20  }
0x9e: {  	_ =	swait.ge [sflag:s22], s20  }
0x9f: {  	s4 =	ssub.s32 $0x0, s20;
	[sflag:s22] =	ssyncset.done $0x0  }
0xa0: {  	[sflag:s22] =	ssyncadd.s32 s4;
	_ =	sdelay $0x1  }
0xa1: {  	s23 =	simm.s32 $0x1B8B  }
0xa2: {  	_ =	swait.ge [sflag:s23], $0x1  }
0xa3: {  	[sflag:s23] =	ssyncset.done $0x0  }
0xa4: {  	s25 =	simm.s32 $0x1B8E;
	s24 =	sld [smem:$0x3FFE];
	[sflag:s23] =	ssyncadd.s32 $0xFFFFFFFF  }
0xa5: {  	s26 =	simm.s32 $execute0_lowered;
	[smem:$0x3FD2] =	sst s25  }
0xa6: {  	s5 =	sshll.u32 s26, $0x1;
	_ =	strace $0x80000049;
	[dreg:$0x1] =	wrdreg $0xFFFFFFFF  }
0xa7: {  	s28 =	simm.s32 $_size_execute0_lowered;
	s3 =	sadd.s32 s3, s5;
	[dreg:$0x0] =	wrdreg $0x0  }
0xa8: {  	s5 =	sshll.u32 s28, $0x1;
	[dreg:$0x2] =	wrdreg s3  }
0xa9: {  	[dreg:$0x3] =	wrdreg s5  }
0xaa: {  	[dreg:$0x4] =	wrdreg $0xC0  }
0xab: {  	_ =	task [dreg:s7], $0x5FFFF  }
0xac: {  	[dreg:$0x1] =	wrdreg $0xFFFFFFFF  }
0xad: {  	[dreg:$0x0] =	wrdreg $0x60  }
0xae: {  	[dreg:$0x2] =	wrdreg s2  }
0xaf: {  	[dreg:$0x3] =	wrdreg s24  }
0xb0: {  	[dreg:$0x4] =	wrdreg $0x114400  }
0xb1: {  	[dreg:$0x5] =	wrdreg $0x9  }
0xb2: {  	_ =	task.clear_ibuf [dreg:s7], $0x6FFFF;
	_ =	strace $0x90000049  }
0xb3: {  	s29 =	simm.s32 $0x9;
	_ =	strace $0x8000004B  }
0xb4: {  	_ =	swait.ge [sflag:s29], $0x1  }
0xb5: {  	[sflag:s29] =	ssyncadd.s32 $0xFFFFFFFF  }
0xb6: {  	_ =	strace $0x9000004B  }
0xb7: {  	_ =	sfence  }
0xb8: {  	s30 =	sld [smem:$0x0];
	_ =	sdelay $0x2  }
0xb9: {  	s31 =	sshll.u32 s1, $0xD;
	s1 =	sshrl.u32 s1, $0x2  }
0xba: {  	s3 =	sand.u32 $0x4000, s31;
	s1 =	sadd.s32 s1, s30  }
0xbb: {  	s0 =	sor.u32 s3, s0;
	s1 =	sshll.u32 s1, $0x11  }
0xbc: {  	s0 =	sor.u32 s1, s0  }
0xbd: {  	s0 =	sadd.s32 $0x8F2B, s0  }
0xbe: {  	[sflag:s0] =	ssyncadd.remote.s32 $0x1  }
0xbf: {  	_ =	sfence.sel $0xFFFF  }
0xc0: {  	[dreg:$0x0] =	wrdreg $0xFFFFFFFF;
	(pc) =	sbr.abs _section_cstart, $3  }
0xc1: {  	[dreg:$0x1] =	wrdreg $0xFFFFFFFF  }
0xc2: {  	_ =	task.clear_ibuf [dreg:s7], $0x2FFFF;
	_ =	strace $0x9FFFFFFF  }
0xc3: {  	(tm) =	ssettm $0x7FFFFFFF  }
tec
execute0_lowered:
.L_overlay_start_1:
0x0: {  	(tag) =	ssettag $0x1  }
0x1: {  	s1 =	rddreg [dreg:$0x0]  }
0x2: {  	s0 =	rddreg [dreg:$0x1]  }
0x3: {  	s3 =	rddreg [dreg:$0x2];
	s4 =	simm.s32 $0x0;
	s8 =	stileid.u32  }
0x4: {  	s2 =	srdreg.scid;
	s28 =	simm.s32 $0xB;
	s29 =	simm.s32 $0x1  }
0x5: {  	s31 =	simm.s32 $0xEC40;
	s30 =	simm.s32 $0x3;
	s5 =	smul.u32 $0x14000, s8  }
0x6: {  	s10 =	simm.s32 $0x0;
	[smem:$0x7FF] =	sst s4;
	s6 =	smul.u32 $0x9C4, s8  }
0x7: {  	s2 =	sand.u32 $0x1, s2;
	s8 =	smul.u32 $0x28000, s8;
	_ =	strace $0x8000004A  }
0x8: {  	s7 =	sshll.u32 s2, $0x6;
	s14 =	ssub.s32 $0x2, s2;
	p0 =	seq.s32 s2, $0x1  }
0x9: {  	s2 =	simm.s32 $0x4;
	s9 =	sadd.s32 s6, s0;
	s15 =	sshrl.u32 s14, $0x1  }
0xa: {  	s17 =	sshrl.u32 s8, $0x2;
	s16 =	ssub.s32 s14, s15;
	s18 =	sadd.s32 $0x3400, s9  }
0xb: {  	s6 =	sadd.s32 s17, s3;
	[dreg:$0x4] =	wrdreg s18;
	s19 =	smax.u32 s16, $0x1  }
0xc: {  	s5 =	sor.u32 s7, s5;
	s20 =	sadd.s32 $0x1400, s6;
	[dreg:$0x6] =	wrdreg s19  }
0xd: {  	s7 =	simm.s32 $0x5;
	s21 =	sadd.s32 $0x2800, s6;
	[dreg:$0x7] =	wrdreg s20  }
0xe: {  	s8 =	simm.s32 $0x9;
	s22 =	sadd.s32 $0x3C00, s6;
	[dreg:$0x8] =	wrdreg s21  }
0xf: {  	s5 =	sshrl.u32 s5, $0x3;
	s23 =	sadd.s32 $0x5000, s6;
	[dreg:$0x9] =	wrdreg s22  }
0x10: {  	s17 =	simm.s32 $0xC;
	s24 =	sadd.s32 $0x6400, s6;
	[dreg:$0xa] =	wrdreg s23  }
0x11: {  	s14 =	simm.s32 $0x4E20;
	s25 =	sadd.s32 $0x7800, s6;
	[dreg:$0xb] =	wrdreg s24  }
0x12: {  	s0 =	sadd.s32 s5, s0;
	s26 =	sadd.s32 $0x8C00, s6;
	[dreg:$0xc] =	wrdreg s25  }
0x13: {  	s5 =	simm.s32 $0x8;
	s0 =	sadd.s32 $0xD200, s0;
	[dreg:$0xd] =	wrdreg s26  }
.Ltmp0:
0x14: {  	s19 =	simm.s32 $0x50;
	s20 =	simm.s32 $0x9C40;
	(pc) =	sbr.rel .LBB2_1-.Ltmp0, $4  }
0x15: {  	s21 =	simm.s32 $0xB040;
	s23 =	simm.s32 $0xC440;
	s25 =	simm.s32 $0xD840  }
0x16: {  	s26 =	simm.s32 $0x10040;
	[dreg:$0x5] =	wrdreg s0;
	s0 =	simm.s32 $0x3F000  }
0x17: {  	s22 =	simm.s32 $0x6;
	s24 =	simm.s32 $0x7;
	s0 =	simm.s32 @!p0 $0x35200  }
0x18: {  	v0 =	vimm.f32 $0.0e+00;
	s16 =	sadd.s32 s0, s9;
	s0 =	simm.s32 $0x2;
	s9 =	simm.s32 $0xA  }
.LBB2_6:
0x19: {  	_ =	swait.ge [sflag:s7], $0x1400  }
0x1a: {  	[sflag:s7] =	ssyncset.done $0x0  }
0x1b: {  	[sflag:s7] =	ssyncadd.s32 $0xFFFFEC00  }
0x1c: {  	[spmem:s3] =	stream.indirect.scatter.add.f32 [tilespmem:s31], [sflag:$0xA], $0x40, s13, s19, $0xb8;
	[tilespmem:$0x1B440] =	vst v63  }
0x1d: {  	_ =	swait.ge [sflag:s22], $0x1400  }
0x1e: {  	[sflag:s22] =	ssyncset.done $0x0  }
0x1f: {  	[sflag:s22] =	ssyncadd.s32 $0xFFFFEC00  }
0x20: {  	_ =	swait.ge [sflag:s24], $0x1400  }
0x21: {  	[sflag:s24] =	ssyncset.done $0x0  }
0x22: {  	[sflag:s24] =	ssyncadd.s32 $0xFFFFEC00  }
0x23: {  	_ =	swait.ge [sflag:s5], $0x1400  }
0x24: {  	[sflag:s5] =	ssyncset.done $0x0  }
0x25: {  	[sflag:s5] =	ssyncadd.s32 $0xFFFFEC00  }
0x26: {  	_ =	swait.ge [sflag:s8], $0x1400  }
0x27: {  	[sflag:s8] =	ssyncset.done $0x0  }
0x28: {  	[sflag:s8] =	ssyncadd.s32 $0xFFFFEC00  }
0x29: {  	_ =	swait.ge [sflag:s9], $0x1400  }
0x2a: {  	[sflag:s9] =	ssyncset.done $0x0  }
0x2b: {  	s11 =	stileid.u32;
	[sflag:s9] =	ssyncadd.s32 $0xFFFFEC00  }
0x2c: {  	s12 =	sshrl.u32 s6, $0x3;
	s11 =	sshll.u32 s11, $0x6;
	[bflag:$0x0] =	sbarrier.arrive $0xFFFF  }
0x2d: {  	s14 =	simm.s32 $0x10;
	s11 =	sor.u32 $0x1C0C, s11;
	s15 =	rddreg [dreg:$0x5]  }
0x2e: {  	[hbm:s15@s14], [sflag:s11] =	dma.strided [spmem:s12@s5], $0x1400, s29, $0x8   }
0x2f: {  	_ =	swait.ge [sflag:s17], $0x1400  }
0x30: {  	s10 =	sadd.s32 $0x1, s10;
	s18 =	rddreg [dreg:$0x6]  }
0x31: {  	p0 =	sne.s32 s10, s18  }
.Ltmp1:
0x32: {  	_ = 	snop;
	(pc) =	sbr.rel @!p0 .LBB2_7-.Ltmp1, $3  }
0x33: {  	_ =	sdelay $0x1  }
0x34: {  	[sflag:s17] =	ssyncset.done $0x0  }
0x35: {  	s14 =	simm.s32 $0x4E20;
	[sflag:s17] =	ssyncadd.s32 $0xFFFFEC00  }
.LBB2_1:
0x36: {  	[tilespmem:s4], [sflag:$0xC] =	stream.linear.gather [hbm4b:s16+s4], $0x4E20, $0x38;
	[tilespmem:$0x1B440] =	vst v63  }
0x37: {  	_ =	swait.ge [sflag:s17], $0x4E20  }
0x38: {  	[sflag:s17] =	ssyncset.done $0x0  }
0x39: {  	s11 =	rddreg [dreg:$0x4];
	[sflag:s17] =	ssyncadd.s32 $0xFFFFB1E0  }
0x3a: {  	[tilespmem:s14], [sflag:$0xC] =	stream.linear.gather [hbm4b:s11+s4], $0x4E20, $0x38;
	[tilespmem:$0x1B440] =	vst v63  }
0x3b: {  	_ =	swait.ge [sflag:s17], $0x4E20  }
0x3c: {  	[sflag:s17] =	ssyncset.done $0x0  }
0x3d: {  	[sflag:s17] =	ssyncadd.s32 $0xFFFFB1E0  }
0x3e: {  	[tilespmem:s20], [sflag:$0x1] =	stream.indirect.gather [hbm4b:s1+s19], $0x40, s4, s19, $0xb8;
	[tilespmem:$0x1B440] =	vst v63  }
0x3f: {  	_ = 	snop  }
0x40: {  	[tilespmem:s21], [sflag:$0x2] =	stream.indirect.gather [hbm4b:s1+s19], $0x40, s19, s19, $0xb8;
	[tilespmem:$0x1B440] =	vst v63  }
0x41: {  	s15 =	simm.s32 $0xA0  }
0x42: {  	[tilespmem:s23], [sflag:$0x3] =	stream.indirect.gather [hbm4b:s1+s19], $0x40, s15, s19, $0xb8;
	[tilespmem:$0x1B440] =	vst v63  }
0x43: {  	s18 =	simm.s32 $0xF0;
	s12 =	simm.s32 $0x100;
	s11 =	simm.s32 $0x0  }
0x44: {  	[tilespmem:s25], [sflag:$0x4] =	stream.indirect.gather [hbm4b:s1+s19], $0x40, s18, s19, $0xb8;
	[tilespmem:$0x1B440] =	vst v63  }
.LBB2_2:
0x45: {  	p0 =	sne.s32 s12, $0x4F00;
	[tilespmem:s11+$0x10070] =	vst v0;
	s13 =	smov.u32 s12;
	s12 =	sadd.s32 $0x100, s12  }
.Ltmp2:
0x46: {  	[tilespmem:s11+$0x10060] =	vst v0;
	(pc) =	sbr.rel @p0 .LBB2_2-.Ltmp2, $3  }
0x47: {  	[tilespmem:s11+$0x10040] =	vst v0  }
0x48: {  	[tilespmem:s11+$0x10050] =	vst v0;
	_ =	sdelay $0x1  }
0x49: {  	s11 =	sshra.s32 s13, $0x2  }
0x4a: {  	[tilespmem:s11+$0x10070] =	vst v0  }
0x4b: {  	[tilespmem:s11+$0x10060] =	vst v0  }
0x4c: {  	[tilespmem:s11+$0x10040] =	vst v0  }
0x4d: {  	[tilespmem:s11+$0x10050] =	vst v0  }
0x4e: {  	[spmem:s6] =	stream.linear.scatter [tilespmem:s26], [sflag:$0xB], $0x1400, $0x38;
	[tilespmem:$0x1B440] =	vst v63  }
0x4f: {  	s15 =	rddreg [dreg:$0x7]  }
0x50: {  	[spmem:s15] =	stream.linear.scatter [tilespmem:s26], [sflag:$0xB], $0x1400, $0x38;
	[tilespmem:$0x1B440] =	vst v63  }
0x51: {  	s18 =	rddreg [dreg:$0x8]  }
0x52: {  	[spmem:s18] =	stream.linear.scatter [tilespmem:s26], [sflag:$0xB], $0x1400, $0x38;
	[tilespmem:$0x1B440] =	vst v63  }
0x53: {  	s12 =	rddreg [dreg:$0x9]  }
0x54: {  	[spmem:s12] =	stream.linear.scatter [tilespmem:s26], [sflag:$0xB], $0x1400, $0x38;
	[tilespmem:$0x1B440] =	vst v63  }
0x55: {  	s13 =	rddreg [dreg:$0xa]  }
0x56: {  	[spmem:s13] =	stream.linear.scatter [tilespmem:s26], [sflag:$0xB], $0x1400, $0x38;
	[tilespmem:$0x1B440] =	vst v63  }
0x57: {  	s15 =	rddreg [dreg:$0xb]  }
0x58: {  	[spmem:s15] =	stream.linear.scatter [tilespmem:s26], [sflag:$0xB], $0x1400, $0x38;
	[tilespmem:$0x1B440] =	vst v63  }
0x59: {  	s18 =	rddreg [dreg:$0xc]  }
0x5a: {  	[spmem:s18] =	stream.linear.scatter [tilespmem:s26], [sflag:$0xB], $0x1400, $0x38;
	[tilespmem:$0x1B440] =	vst v63  }
0x5b: {  	s12 =	rddreg [dreg:$0xd]  }
0x5c: {  	[spmem:s12] =	stream.linear.scatter [tilespmem:s26], [sflag:$0xB], $0x1400, $0x38;
	[tilespmem:$0x1B440] =	vst v63  }
0x5d: {  	_ =	swait.ge [sflag:s28], $0x1400  }
0x5e: {  	[sflag:s28] =	ssyncset.done $0x0  }
0x5f: {  	[sflag:s28] =	ssyncadd.s32 $0xFFFFEC00  }
0x60: {  	_ =	swait.ge [sflag:s28], $0x1400  }
0x61: {  	[sflag:s28] =	ssyncset.done $0x0  }
0x62: {  	[sflag:s28] =	ssyncadd.s32 $0xFFFFEC00  }
0x63: {  	_ =	swait.ge [sflag:s28], $0x1400  }
0x64: {  	[sflag:s28] =	ssyncset.done $0x0  }
0x65: {  	[sflag:s28] =	ssyncadd.s32 $0xFFFFEC00  }
0x66: {  	_ =	swait.ge [sflag:s28], $0x1400  }
0x67: {  	[sflag:s28] =	ssyncset.done $0x0  }
0x68: {  	[sflag:s28] =	ssyncadd.s32 $0xFFFFEC00  }
0x69: {  	_ =	swait.ge [sflag:s28], $0x1400  }
0x6a: {  	[sflag:s28] =	ssyncset.done $0x0  }
0x6b: {  	[sflag:s28] =	ssyncadd.s32 $0xFFFFEC00  }
0x6c: {  	_ =	swait.ge [sflag:s28], $0x1400  }
0x6d: {  	[sflag:s28] =	ssyncset.done $0x0  }
0x6e: {  	[sflag:s28] =	ssyncadd.s32 $0xFFFFEC00  }
0x6f: {  	_ =	swait.ge [sflag:s28], $0x1400  }
0x70: {  	[sflag:s28] =	ssyncset.done $0x0  }
0x71: {  	[sflag:s28] =	ssyncadd.s32 $0xFFFFEC00  }
0x72: {  	_ =	swait.ge [sflag:s28], $0x1400  }
0x73: {  	[sflag:s28] =	ssyncset.done $0x0  }
0x74: {  	[sflag:s28] =	ssyncadd.s32 $0xFFFFEC00  }
0x75: {  	[bflag:$0x0] =	sbarrier.arrive $0xFFFF  }
0x76: {  	_ =	swait.ge [sflag:s29], $0x1400  }
0x77: {  	[sflag:s29] =	ssyncset.done $0x0  }
0x78: {  	[sflag:s29] =	ssyncadd.s32 $0xFFFFEC00  }
0x79: {  	[spmem:s3] =	stream.indirect.scatter.add.f32 [tilespmem:s20], [sflag:$0x6], $0x40, s14, s19, $0xb8;
	[tilespmem:$0x1B440] =	vst v63  }
0x7a: {  	s13 =	simm.s32 $0x140  }
0x7b: {  	[tilespmem:s31], [sflag:$0x5] =	stream.indirect.gather [hbm4b:s1+s19], $0x40, s13, s19, $0xb8;
	[tilespmem:$0x1B440] =	vst v63  }
0x7c: {  	_ =	swait.ge [sflag:s0], $0x1400  }
0x7d: {  	[sflag:s0] =	ssyncset.done $0x0  }
0x7e: {  	s14 =	simm.s32 $0x4E70;
	[sflag:s0] =	ssyncadd.s32 $0xFFFFEC00  }
0x7f: {  	[spmem:s3] =	stream.indirect.scatter.add.f32 [tilespmem:s21], [sflag:$0x7], $0x40, s14, s19, $0xb8;
	[tilespmem:$0x1B440] =	vst v63  }
0x80: {  	_ =	swait.ge [sflag:s22], $0x1400  }
0x81: {  	[sflag:s22] =	ssyncset.done $0x0  }
0x82: {  	s15 =	simm.s32 $0x190;
	[sflag:s22] =	ssyncadd.s32 $0xFFFFEC00  }
0x83: {  	[tilespmem:s20], [sflag:$0x1] =	stream.indirect.gather [hbm4b:s1+s19], $0x40, s15, s19, $0xb8;
	[tilespmem:$0x1B440] =	vst v63  }
0x84: {  	_ =	swait.ge [sflag:s30], $0x1400  }
0x85: {  	[sflag:s30] =	ssyncset.done $0x0  }
0x86: {  	s18 =	simm.s32 $0x4EC0;
	[sflag:s30] =	ssyncadd.s32 $0xFFFFEC00  }
0x87: {  	[spmem:s3] =	stream.indirect.scatter.add.f32 [tilespmem:s23], [sflag:$0x8], $0x40, s18, s19, $0xb8;
	[tilespmem:$0x1B440] =	vst v63  }
0x88: {  	_ =	swait.ge [sflag:s24], $0x1400  }
0x89: {  	[sflag:s24] =	ssyncset.done $0x0  }
0x8a: {  	s12 =	simm.s32 $0x1E0;
	[sflag:s24] =	ssyncadd.s32 $0xFFFFEC00  }
0x8b: {  	[tilespmem:s21], [sflag:$0x2] =	stream.indirect.gather [hbm4b:s1+s19], $0x40, s12, s19, $0xb8;
	[tilespmem:$0x1B440] =	vst v63  }
0x8c: {  	_ =	swait.ge [sflag:s2], $0x1400  }
0x8d: {  	[sflag:s2] =	ssyncset.done $0x0  }
0x8e: {  	s13 =	simm.s32 $0x4F10;
	[sflag:s2] =	ssyncadd.s32 $0xFFFFEC00  }
0x8f: {  	[spmem:s3] =	stream.indirect.scatter.add.f32 [tilespmem:s25], [sflag:$0x9], $0x40, s13, s19, $0xb8;
	[tilespmem:$0x1B440] =	vst v63  }
0x90: {  	_ =	swait.ge [sflag:s5], $0x1400  }
0x91: {  	[sflag:s5] =	ssyncset.done $0x0  }
0x92: {  	s14 =	simm.s32 $0x230;
	[sflag:s5] =	ssyncadd.s32 $0xFFFFEC00  }
0x93: {  	[tilespmem:s23], [sflag:$0x3] =	stream.indirect.gather [hbm4b:s1+s19], $0x40, s14, s19, $0xb8;
	[tilespmem:$0x1B440] =	vst v63  }
0x94: {  	_ =	swait.ge [sflag:s7], $0x1400  }
0x95: {  	[sflag:s7] =	ssyncset.done $0x0  }
0x96: {  	s15 =	simm.s32 $0x4F60;
	[sflag:s7] =	ssyncadd.s32 $0xFFFFEC00  }
0x97: {  	[spmem:s3] =	stream.indirect.scatter.add.f32 [tilespmem:s31], [sflag:$0xA], $0x40, s15, s19, $0xb8;
	[tilespmem:$0x1B440] =	vst v63  }
0x98: {  	_ =	swait.ge [sflag:s8], $0x1400  }
0x99: {  	[sflag:s8] =	ssyncset.done $0x0  }
0x9a: {  	s11 =	simm.s32 $0x0;
	s18 =	simm.s32 $0x280;
	[sflag:s8] =	ssyncadd.s32 $0xFFFFEC00  }
0x9b: {  	[tilespmem:s25], [sflag:$0x4] =	stream.indirect.gather [hbm4b:s1+s19], $0x40, s18, s19, $0xb8;
	[tilespmem:$0x1B440] =	vst v63  }
.LBB2_4:
0x9c: {  	_ =	swait.ge [sflag:s29], $0x1400  }
0x9d: {  	s12 =	sshra.s32 s11, $0x2;
	[sflag:s29] =	ssyncset.done $0x0  }
0x9e: {  	s13 =	sadd.s32 $0x4FB0, s12;
	[sflag:s29] =	ssyncadd.s32 $0xFFFFEC00  }
0x9f: {  	[spmem:s3] =	stream.indirect.scatter.add.f32 [tilespmem:s20], [sflag:$0x6], $0x40, s13, s19, $0xb8;
	[tilespmem:$0x1B440] =	vst v63  }
0xa0: {  	_ =	swait.ge [sflag:s9], $0x1400  }
0xa1: {  	[sflag:s9] =	ssyncset.done $0x0  }
0xa2: {  	s14 =	sadd.s32 $0x2D0, s12;
	[sflag:s9] =	ssyncadd.s32 $0xFFFFEC00  }
0xa3: {  	[tilespmem:s31], [sflag:$0x5] =	stream.indirect.gather [hbm4b:s1+s19], $0x40, s14, s19, $0xb8;
	[tilespmem:$0x1B440] =	vst v63  }
0xa4: {  	_ =	swait.ge [sflag:s0], $0x1400  }
0xa5: {  	p0 =	seq.s32 s11, $0x12C00;
	[sflag:s0] =	ssyncset.done $0x0  }
0xa6: {  	s15 =	sadd.s32 $0x5000, s12;
	s13 =	simm.s32 @p0 $0x3;
	[sflag:s0] =	ssyncadd.s32 $0xFFFFEC00  }
0xa7: {  	[spmem:s3] =	stream.indirect.scatter.add.f32 [tilespmem:s21], [sflag:$0x7], $0x40, s15, s19, $0xb8;
	[tilespmem:$0x1B440] =	vst v63  }
0xa8: {  	_ =	swait.ge @p0 [sflag:s13], $0x1400  }
0xa9: {  	[sflag:s13] =	ssyncset.done @p0 $0x0  }
0xaa: {  	[sflag:s13] =	ssyncadd.s32 @p0 $0xFFFFEC00;
	s13 =	sshra.s32 @p0 s11, $0x2  }
0xab: {  	s18 =	simm.s32 @p0 $0x50;
	s14 =	simm.s32 @p0 $0xC440;
	s13 =	sadd.s32 @p0 $0x5050, s13  }
0xac: {  	[spmem:s3] =	stream.indirect.scatter.add.f32 @p0 [tilespmem:s14], [sflag:$0x8], $0x40, s13, s18, $0xb8;
	[tilespmem:$0x1B440] =	vst v63  }
0xad: {  	s13 =	simm.s32 @!p0 $0x6  }
0xae: {  	_ =	swait.ge @!p0 [sflag:s13], $0x1400  }
0xaf: {  	[sflag:s13] =	ssyncset.done @!p0 $0x0  }
0xb0: {  	[sflag:s13] =	ssyncadd.s32 @!p0 $0xFFFFEC00;
	s13 =	sshra.s32 @!p0 s11, $0x2  }
0xb1: {  	s15 =	simm.s32 @!p0 $0x9C40;
	s18 =	simm.s32 @!p0 $0x50;
	s14 =	sadd.s32 @!p0 $0x320, s13  }
0xb2: {  	[tilespmem:s15], [sflag:$0x1] =	stream.indirect.gather @!p0 [hbm4b:s1+s18], $0x40, s14, s18, $0xb8;
	[tilespmem:$0x1B440] =	vst v63  }
0xb3: {  	s14 =	simm.s32 @!p0 $0x3  }
0xb4: {  	_ =	swait.ge @!p0 [sflag:s14], $0x1400  }
0xb5: {  	[sflag:s14] =	ssyncset.done @!p0 $0x0  }
0xb6: {  	s15 =	simm.s32 @!p0 $0xC440;
	[sflag:s14] =	ssyncadd.s32 @!p0 $0xFFFFEC00;
	s14 =	sadd.s32 @!p0 $0x5050, s13  }
0xb7: {  	[spmem:s3] =	stream.indirect.scatter.add.f32 @!p0 [tilespmem:s15], [sflag:$0x8], $0x40, s14, s18, $0xb8;
	[tilespmem:$0x1B440] =	vst v63  }
0xb8: {  	s14 =	simm.s32 @!p0 $0x7  }
0xb9: {  	_ =	swait.ge @!p0 [sflag:s14], $0x1400  }
0xba: {  	[sflag:s14] =	ssyncset.done @!p0 $0x0  }
0xbb: {  	s13 =	sadd.s32 @!p0 $0x370, s13;
	[sflag:s14] =	ssyncadd.s32 @!p0 $0xFFFFEC00;
	s14 =	simm.s32 @!p0 $0xB040  }
0xbc: {  	[tilespmem:s14], [sflag:$0x2] =	stream.indirect.gather @!p0 [hbm4b:s1+s18], $0x40, s13, s18, $0xb8;
	[tilespmem:$0x1B440] =	vst v63  }
.Ltmp3:
0xbd: {  	_ = 	snop;
	(pc) =	sbr.rel @p0 .LBB2_6-.Ltmp3, $4  }
0xbe: {  	_ =	swait.ge [sflag:s2], $0x1400  }
0xbf: {  	[sflag:s2] =	ssyncset.done $0x0  }
0xc0: {  	s18 =	sadd.s32 $0x50A0, s12;
	s13 =	sadd.s32 $0x50F0, s12;
	[sflag:s2] =	ssyncadd.s32 $0xFFFFEC00  }
0xc1: {  	[spmem:s3] =	stream.indirect.scatter.add.f32 [tilespmem:s25], [sflag:$0x9], $0x40, s18, s19, $0xb8;
	[tilespmem:$0x1B440] =	vst v63  }
0xc2: {  	_ =	swait.ge [sflag:s5], $0x1400  }
0xc3: {  	[sflag:s5] =	ssyncset.done $0x0  }
0xc4: {  	s14 =	sadd.s32 $0x3C0, s12;
	[sflag:s5] =	ssyncadd.s32 $0xFFFFEC00  }
0xc5: {  	[tilespmem:s23], [sflag:$0x3] =	stream.indirect.gather [hbm4b:s1+s19], $0x40, s14, s19, $0xb8;
	[tilespmem:$0x1B440] =	vst v63  }
0xc6: {  	_ =	swait.ge [sflag:s7], $0x1400  }
0xc7: {  	[sflag:s7] =	ssyncset.done $0x0  }
0xc8: {  	[sflag:s7] =	ssyncadd.s32 $0xFFFFEC00  }
0xc9: {  	[spmem:s3] =	stream.indirect.scatter.add.f32 [tilespmem:s31], [sflag:$0xA], $0x40, s13, s19, $0xb8;
	[tilespmem:$0x1B440] =	vst v63  }
.Ltmp4:
0xca: {  	_ = 	snop;
	(pc) =	sbr.rel .LBB2_4-.Ltmp4, $4  }
0xcb: {  	_ =	swait.ge [sflag:s8], $0x1400  }
0xcc: {  	[sflag:s8] =	ssyncset.done $0x0  }
0xcd: {  	s18 =	sadd.s32 $0x410, s12;
	s11 =	sadd.s32 $0x640, s11;
	[sflag:s8] =	ssyncadd.s32 $0xFFFFEC00  }
0xce: {  	[tilespmem:s25], [sflag:$0x4] =	stream.indirect.gather [hbm4b:s1+s19], $0x40, s18, s19, $0xb8;
	[tilespmem:$0x1B440] =	vst v63  }
.LBB2_7:
0xcf: {  	_ =	sfence.sel $0x180000  }
0xd0: {  	[bflag:$0x0] =	sbarrier.arrive $0xFFFF  }
0xd1: {  	_ =	strace $0x9000004A  }
0xd2: {  	s0 =	stileid.u32;
	[bflag:$0x2] =	sbarrier.arrive $0xFFFF  }
0xd3: {  	p0 =	sne.s32 s0, $0x0;
	s0 =	rddreg [dreg:$0x3]  }
0xd4: {  	s0 =	sadd.s32 @!p0 $0x100000, s0  }
0xd5: {  	[sflag:s0] =	ssyncadd.tile.s32 @!p0 $0x1;
	_ =	shalt  }
.Lfunc_end2:
_tile_overlayer_lowered:
.L_overlay_start_2:
0xd6: {  	(tag) =	ssettag $0x2  }
0xd7: {  	s0 =	rddreg [dreg:$0x0];
	s2 =	stileid.u32  }
0xd8: {  	s1 =	rddreg [dreg:$0x1];
	p0 =	sne.s32 s2, $0x0  }
0xd9: {  	s3 =	rddreg [dreg:$0x2];
	[bflag:$0x3] =	sbarrier.arrive $0xFFFF;
	s2 =	simm.s32 @!p0 $0x1C0C  }
0xda: {  	[timem:s3], [sflag:s2] =	dma.local @!p0 [hbm:s0], s1  }
0xdb: {  	s0 =	simm.s32 @!p0 $0xC  }
0xdc: {  	_ =	swait.ge @!p0 [sflag:s0], s1  }
0xdd: {  	s1 =	ssub.s32 @!p0 $0x0, s1;
	[sflag:s0] =	ssyncset.done @!p0 $0x0  }
0xde: {  	[sflag:s0] =	ssyncadd.s32 @!p0 s1  }
0xdf: {  	[bflag:$0x3] =	sbarrier.arrive $0xFFFF  }
0xe0: {  	_ =	shalt  }

// kernel: kernel.14.cloned.1.call-start
scs
__scs_entry_jumppad:
0x0: {  	(pc) =	sbr.rel $0x88, $3  }
0x1: {  	(tag) =	ssettag $0x0;
	lr =	simm.s32 $0x1  }
0x2: {  	[smem:$0x3F99] =	sst lr;
	_ =	strace $0xD0000000  }
0x3: {  	_ = 	snop  }
0x4: {  	_ = 	snop  }
0x5: {  	_ = 	snop  }
0x6: {  	_ = 	snop  }
0x7: {  	_ = 	snop  }
__scs_overlays_trampoline_lowered:
0x8: {  	[smem:$0x3FA8] =	sst s0  }
0x9: {  	[smem:$0x3FA9] =	sst s1  }
0xa: {  	[smem:$0x3FAA] =	sst s2  }
0xb: {  	[smem:$0x3FAB] =	sst s3  }
0xc: {  	[smem:$0x3FAC] =	sst s4  }
0xd: {  	[smem:$0x3FAD] =	sst s5  }
0xe: {  	[smem:$0x3FAE] =	sst s6  }
0xf: {  	[smem:$0x3FAF] =	sst s7  }
0x10: {  	[smem:$0x3FB0] =	sst s8  }
0x11: {  	[smem:$0x3FB1] =	sst s9;
	s0 =	simm.s32 @!p0 $0x0  }
0x12: {  	s1 =	sld [smem:$0x3F97];
	s0 =	simm.s32 @p0 $0x1  }
0x13: {  	[smem:$0x3FB2] =	sst s0;
	s0 =	simm.s32 @!p1 $0x0  }
0x14: {  	s2 =	sld [smem:$0x3F96];
	s0 =	simm.s32 @p1 $0x1  }
0x15: {  	[smem:$0x3FB3] =	sst s0;
	s0 =	simm.s32 @!p2 $0x0  }
0x16: {  	s3 =	sld [smem:$0x3FDB];
	s0 =	simm.s32 @p2 $0x1  }
0x17: {  	s4 =	simm.s32 $0x1BF5;
	[smem:$0x3FB5] =	sst s0  }
0x18: {  	s0 =	sld [smem:$0x3F98];
	_ =	swait.ge [sflag:s4], $0x0  }
0x19: {  	s7 =	sld [smem:$0x3F99]  }
0x1a: {  	s8 =	sadd.s32 $0xFFFFE003, lr  }
0x1b: {  	s9 =	sadd.s32 $0xFFFFFEF7, lr;
	s5 =	simm.s32 $0xFFFFFFFF;
	p2 =	slt.u32 s8, $0xFFFFF086  }
0x1c: {  	p1 =	slt.u32 s9, $0xF7A;
	s5 =	simm.s32 @!p2 $0x0  }
0x1d: {  	s5 =	simm.s32 @p1 $0x1;
	p0 =	seq.s32 s7, s2  }
0x1e: {  	s7 =	smul.u32 @!p0 $0xF7A, s2;
	p2 =	seq.s32 @!p0 s5, $0x0  }
0x1f: {  	s9 =	smul.u32 $0xF7A, s1;
	s8 =	simm.s32 @!p0 $0x1BF5;
	p2 =	por !p2, p0  }
0x20: {  	[sflag:s8] =	ssyncset.s32 @!p0 $0xFFFFF086;
	s6 =	sadd.s32 @!p0 s3, s7;
	s7 =	simm.s32 @!p0 $0x108  }
0x21: {  	s3 =	sadd.s32 s3, s9;
	s6 =	sadd.s32 @!p0 $0x88, s6;
	s7 =	simm.s32 @p2 $0x1082  }
0x22: {  	[simem:s7], [sflag:s8] =	dma.local @!p0 [hbm:s6], $0xF7A  }
0x23: {  	s9 =	sor.u32 $0xD0000000, s2;
	s6 =	simm.s32 $0x108;
	_ =	swait.ge @!p0 [sflag:s8], $0x0  }
0x24: {  	s3 =	sadd.s32 $0x88, s3;
	s6 =	simm.s32 @!p1 $0x1082;
	[sflag:s4] =	ssyncset.s32 $0xFFFFF086  }
0x25: {  	[simem:s6], [sflag:s4] =	dma.local [hbm:s3], $0xF7A  }
0x26: {  	[smem:$0x3F99] =	sst s1;
	(tag) =	ssettag s2;
	_ =	strace s9  }
0x27: {  	s1 =	sld [smem:$0x3FA9]  }
0x28: {  	s2 =	sld [smem:$0x3FAA]  }
0x29: {  	s4 =	sld [smem:$0x3FAC]  }
0x2a: {  	p0 =	seq.s32 s5, $0x0;
	s5 =	sld [smem:$0x3FAD]  }
0x2b: {  	s6 =	sld [smem:$0x3FAE]  }
0x2c: {  	s7 =	sld [smem:$0x3FAF]  }
0x2d: {  	s3 =	simm.s32 $0x108;
	s8 =	sld [smem:$0x3FB0]  }
0x2e: {  	s3 =	simm.s32 @!p0 $0x1082;
	s9 =	sld [smem:$0x3FB1]  }
0x2f: {  	lr =	sadd.s32 s0, s3;
	s0 =	sld [smem:$0x3FA8]  }
0x30: {  	s3 =	sld [smem:$0x3FAB]  }
0x31: {  	[smem:$0x3FB4] =	sst s10  }
0x32: {  	s10 =	sld [smem:$0x3FB2];
	_ =	sdelay $0x3  }
0x33: {  	p0 =	seq.s32 s10, $0x1;
	s10 =	sld [smem:$0x3FB4];
	_ =	sdelay $0x3  }
0x34: {  	[smem:$0x3FB4] =	sst s10  }
0x35: {  	s10 =	sld [smem:$0x3FB3];
	_ =	sdelay $0x3  }
0x36: {  	p1 =	seq.s32 s10, $0x1;
	s10 =	sld [smem:$0x3FB4];
	_ =	sdelay $0x3  }
0x37: {  	[smem:$0x3FB4] =	sst s10  }
0x38: {  	s10 =	sld [smem:$0x3FB5]  }
0x39: {  	_ = 	snop;
	(pc) =	sbr.ind lr, $3  }
0x3a: {  	_ = 	snop  }
0x3b: {  	_ = 	snop  }
0x3c: {  	p2 =	seq.s32 s10, $0x1;
	s10 =	sld [smem:$0x3FB4]  }
0x3d: {  	_ =	shalt  }
0x3e: {  	_ =	shalt  }
0x3f: {  	_ =	shalt  }
0x40: {  	_ =	shalt  }
0x41: {  	_ =	shalt  }
0x42: {  	_ =	shalt  }
0x43: {  	_ =	shalt  }
0x44: {  	_ =	shalt  }
0x45: {  	_ =	shalt  }
0x46: {  	_ =	shalt  }
0x47: {  	_ =	shalt  }
0x48: {  	_ =	shalt  }
0x49: {  	_ =	shalt  }
0x4a: {  	_ =	shalt  }
0x4b: {  	_ =	shalt  }
0x4c: {  	_ =	shalt  }
0x4d: {  	_ =	shalt  }
0x4e: {  	_ =	shalt  }
0x4f: {  	_ =	shalt  }
0x50: {  	_ =	shalt  }
0x51: {  	_ =	shalt  }
0x52: {  	_ =	shalt  }
0x53: {  	_ =	shalt  }
0x54: {  	_ =	shalt  }
0x55: {  	_ =	shalt  }
0x56: {  	_ =	shalt  }
0x57: {  	_ =	shalt  }
0x58: {  	_ =	shalt  }
0x59: {  	_ =	shalt  }
0x5a: {  	_ =	shalt  }
0x5b: {  	_ =	shalt  }
0x5c: {  	_ =	shalt  }
0x5d: {  	_ =	shalt  }
0x5e: {  	_ =	shalt  }
0x5f: {  	_ =	shalt  }
0x60: {  	_ =	shalt  }
0x61: {  	_ =	shalt  }
0x62: {  	_ =	shalt  }
0x63: {  	_ =	shalt  }
0x64: {  	_ =	shalt  }
0x65: {  	_ =	shalt  }
0x66: {  	_ =	shalt  }
0x67: {  	_ =	shalt  }
0x68: {  	_ =	shalt  }
0x69: {  	_ =	shalt  }
0x6a: {  	_ =	shalt  }
0x6b: {  	_ =	shalt  }
0x6c: {  	_ =	shalt  }
0x6d: {  	_ =	shalt  }
0x6e: {  	_ =	shalt  }
0x6f: {  	_ =	shalt  }
0x70: {  	_ =	shalt  }
0x71: {  	_ =	shalt  }
0x72: {  	_ =	shalt  }
0x73: {  	_ =	shalt  }
0x74: {  	_ =	shalt  }
0x75: {  	_ =	shalt  }
0x76: {  	_ =	shalt  }
0x77: {  	_ =	shalt  }
0x78: {  	_ =	shalt  }
0x79: {  	_ =	shalt  }
0x7a: {  	_ =	shalt  }
0x7b: {  	_ =	shalt  }
0x7c: {  	_ =	shalt  }
0x7d: {  	_ =	shalt  }
0x7e: {  	_ =	shalt  }
0x7f: {  	_ =	shalt  }
0x80: {  	_ =	shalt  }
0x81: {  	_ =	shalt  }
0x82: {  	_ =	shalt  }
0x83: {  	_ =	shalt  }
0x84: {  	_ =	shalt  }
0x85: {  	_ =	shalt  }
0x86: {  	_ =	shalt  }
0x87: {  	_ =	shalt  }
.Lfunc_end0:
.L_simem_size_0:
called_computation.2_lowered:
.L_overlay_start_0:
0x88: {  	s2 =	sld [smem:$0x3FD9]  }
0x89: {  	s3 =	sld [smem:$0x3FFE];
	_ =	sdelay $0x1  }
0x8a: {  	s1 =	srdreg.scid  }
0x8b: {  	s0 =	sand.u32 $0x1, s1  }
0x8c: {  	s17 =	sshll.u32 s0, $0xA;
	s2 =	sadd.s32 s3, s2  }
0x8d: {  	s2 =	sadd.s32 s2, s17  }
0x8e: {  	[smem:$0x3FC0] =	sst s2  }
0x8f: {  	_ = 	snop  }
0x90: {  	s2 =	sld [smem:$0x3FD0];
	(tm) =	ssettm $0x1  }
0x91: {  	s18 =	sld [smem:$0x3FFB];
	_ =	sdelay $0x3  }
0x92: {  	_ =	strace s18  }
0x93: {  	s3 =	sld [smem:$0x3FFC];
	_ =	sdelay $0x3  }
0x94: {  	_ =	strace s3  }
0x95: {  	s3 =	sld [smem:$0x3FFD];
	_ =	sdelay $0x3  }
0x96: {  	_ =	strace s3  }
0x97: {  	_ =	strace $0x8FFFFFFF  }
0x98: {  	s19 =	sld [smem:$0x3FDB];
	_ =	sdelay $0x1  }
0x99: {  	s4 =	simm.s32 $_scs_section_size  }
0x9a: {  	s5 =	simm.s32 $_size__tile_overlayer_lowered;
	s6 =	simm.s32 $_tile_overlayer_lowered  }
0x9b: {  	s22 =	simm.s32 $0x1BFF;
	s21 =	sshll.u32 s6, $0x1;
	s3 =	sadd.s32 s4, s19  }
0x9c: {  	s7 =	simm.s32 $0x0;
	s20 =	sshll.u32 s5, $0x1;
	s5 =	sadd.s32 s21, s3  }
0x9d: {  	[timem:s7], [sflag:s22] =	dma.local [hbm:s5], s20  }
0x9e: {  	_ =	swait.ge [sflag:s22], s20  }
0x9f: {  	s4 =	ssub.s32 $0x0, s20;
	[sflag:s22] =	ssyncset.done $0x0  }
0xa0: {  	[sflag:s22] =	ssyncadd.s32 s4;
	_ =	sdelay $0x1  }
0xa1: {  	s23 =	simm.s32 $0x1B8B  }
0xa2: {  	_ =	swait.ge [sflag:s23], $0x1  }
0xa3: {  	[sflag:s23] =	ssyncset.done $0x0  }
0xa4: {  	s25 =	simm.s32 $0x1B8E;
	s24 =	sld [smem:$0x3FFE];
	[sflag:s23] =	ssyncadd.s32 $0xFFFFFFFF  }
0xa5: {  	s26 =	simm.s32 $execute0_lowered;
	[smem:$0x3FD2] =	sst s25  }
0xa6: {  	s5 =	sshll.u32 s26, $0x1;
	_ =	strace $0x8000004C;
	[dreg:$0x1] =	wrdreg $0xFFFFFFFF  }
0xa7: {  	s28 =	simm.s32 $_size_execute0_lowered;
	s3 =	sadd.s32 s3, s5;
	[dreg:$0x0] =	wrdreg $0x0  }
0xa8: {  	s5 =	sshll.u32 s28, $0x1;
	[dreg:$0x2] =	wrdreg s3  }
0xa9: {  	[dreg:$0x3] =	wrdreg s5  }
0xaa: {  	[dreg:$0x4] =	wrdreg $0xC0  }
0xab: {  	_ =	task [dreg:s7], $0x5FFFF  }
0xac: {  	[dreg:$0x1] =	wrdreg $0xFFFFFFFF  }
0xad: {  	[dreg:$0x0] =	wrdreg $0x60  }
0xae: {  	[dreg:$0x2] =	wrdreg s2  }
0xaf: {  	[dreg:$0x3] =	wrdreg s24  }
0xb0: {  	[dreg:$0x4] =	wrdreg $0x114400  }
0xb1: {  	[dreg:$0x5] =	wrdreg $0x9  }
0xb2: {  	_ =	task.clear_ibuf [dreg:s7], $0x6FFFF;
	_ =	strace $0x9000004C  }
0xb3: {  	s29 =	simm.s32 $0x9;
	_ =	strace $0x8000004E  }
0xb4: {  	_ =	swait.ge [sflag:s29], $0x1  }
0xb5: {  	[sflag:s29] =	ssyncadd.s32 $0xFFFFFFFF  }
0xb6: {  	_ =	strace $0x9000004E  }
0xb7: {  	_ =	sfence  }
0xb8: {  	s30 =	sld [smem:$0x0];
	_ =	sdelay $0x2  }
0xb9: {  	s31 =	sshll.u32 s1, $0xD;
	s1 =	sshrl.u32 s1, $0x2  }
0xba: {  	s3 =	sand.u32 $0x4000, s31;
	s1 =	sadd.s32 s1, s30  }
0xbb: {  	s0 =	sor.u32 s3, s0;
	s1 =	sshll.u32 s1, $0x11  }
0xbc: {  	s0 =	sor.u32 s1, s0  }
0xbd: {  	s0 =	sadd.s32 $0x8F2B, s0  }
0xbe: {  	[sflag:s0] =	ssyncadd.remote.s32 $0x1  }
0xbf: {  	_ =	sfence.sel $0xFFFF  }
0xc0: {  	[dreg:$0x0] =	wrdreg $0xFFFFFFFF;
	(pc) =	sbr.abs _section_cstart, $3  }
0xc1: {  	[dreg:$0x1] =	wrdreg $0xFFFFFFFF  }
0xc2: {  	_ =	task.clear_ibuf [dreg:s7], $0x2FFFF;
	_ =	strace $0x9FFFFFFF  }
0xc3: {  	(tm) =	ssettm $0x7FFFFFFF  }
tec
execute0_lowered:
.L_overlay_start_1:
0x0: {  	(tag) =	ssettag $0x1  }
0x1: {  	s1 =	rddreg [dreg:$0x0]  }
0x2: {  	s0 =	rddreg [dreg:$0x1]  }
0x3: {  	s3 =	rddreg [dreg:$0x2];
	s4 =	simm.s32 $0x0;
	s8 =	stileid.u32  }
0x4: {  	s2 =	srdreg.scid;
	s28 =	simm.s32 $0xB;
	s29 =	simm.s32 $0x1  }
0x5: {  	s31 =	simm.s32 $0xEC40;
	s30 =	simm.s32 $0x3;
	s5 =	smul.u32 $0x14000, s8  }
0x6: {  	s10 =	simm.s32 $0x0;
	[smem:$0x7FF] =	sst s4;
	s6 =	smul.u32 $0x9C4, s8  }
0x7: {  	s2 =	sand.u32 $0x1, s2;
	s8 =	smul.u32 $0x28000, s8;
	_ =	strace $0x8000004D  }
0x8: {  	s7 =	sshll.u32 s2, $0x6;
	s14 =	ssub.s32 $0x2, s2;
	p0 =	seq.s32 s2, $0x1  }
0x9: {  	s2 =	simm.s32 $0x4;
	s9 =	sadd.s32 s6, s0;
	s15 =	sshrl.u32 s14, $0x1  }
0xa: {  	s17 =	sshrl.u32 s8, $0x2;
	s16 =	ssub.s32 s14, s15;
	s18 =	sadd.s32 $0x3400, s9  }
0xb: {  	s6 =	sadd.s32 s17, s3;
	[dreg:$0x4] =	wrdreg s18;
	s19 =	smax.u32 s16, $0x1  }
0xc: {  	s5 =	sor.u32 s7, s5;
	s20 =	sadd.s32 $0x1400, s6;
	[dreg:$0x6] =	wrdreg s19  }
0xd: {  	s7 =	simm.s32 $0x5;
	s21 =	sadd.s32 $0x2800, s6;
	[dreg:$0x7] =	wrdreg s20  }
0xe: {  	s8 =	simm.s32 $0x9;
	s22 =	sadd.s32 $0x3C00, s6;
	[dreg:$0x8] =	wrdreg s21  }
0xf: {  	s5 =	sshrl.u32 s5, $0x3;
	s23 =	sadd.s32 $0x5000, s6;
	[dreg:$0x9] =	wrdreg s22  }
0x10: {  	s17 =	simm.s32 $0xC;
	s24 =	sadd.s32 $0x6400, s6;
	[dreg:$0xa] =	wrdreg s23  }
0x11: {  	s14 =	simm.s32 $0x4E20;
	s25 =	sadd.s32 $0x7800, s6;
	[dreg:$0xb] =	wrdreg s24  }
0x12: {  	s0 =	sadd.s32 s5, s0;
	s26 =	sadd.s32 $0x8C00, s6;
	[dreg:$0xc] =	wrdreg s25  }
0x13: {  	s5 =	simm.s32 $0x8;
	s0 =	sadd.s32 $0xD200, s0;
	[dreg:$0xd] =	wrdreg s26  }
.Ltmp0:
0x14: {  	s19 =	simm.s32 $0x50;
	s20 =	simm.s32 $0x9C40;
	(pc) =	sbr.rel .LBB2_1-.Ltmp0, $4  }
0x15: {  	s21 =	simm.s32 $0xB040;
	s23 =	simm.s32 $0xC440;
	s25 =	simm.s32 $0xD840  }
0x16: {  	s26 =	simm.s32 $0x10040;
	[dreg:$0x5] =	wrdreg s0;
	s0 =	simm.s32 $0x3F000  }
0x17: {  	s22 =	simm.s32 $0x6;
	s24 =	simm.s32 $0x7;
	s0 =	simm.s32 @!p0 $0x35200  }
0x18: {  	v0 =	vimm.f32 $0.0e+00;
	s16 =	sadd.s32 s0, s9;
	s0 =	simm.s32 $0x2;
	s9 =	simm.s32 $0xA  }
.LBB2_6:
0x19: {  	_ =	swait.ge [sflag:s7], $0x1400  }
0x1a: {  	[sflag:s7] =	ssyncset.done $0x0  }
0x1b: {  	[sflag:s7] =	ssyncadd.s32 $0xFFFFEC00  }
0x1c: {  	[spmem:s3] =	stream.indirect.scatter.add.f32 [tilespmem:s31], [sflag:$0xA], $0x40, s13, s19, $0xb8;
	[tilespmem:$0x1B440] =	vst v63  }
0x1d: {  	_ =	swait.ge [sflag:s22], $0x1400  }
0x1e: {  	[sflag:s22] =	ssyncset.done $0x0  }
0x1f: {  	[sflag:s22] =	ssyncadd.s32 $0xFFFFEC00  }
0x20: {  	_ =	swait.ge [sflag:s24], $0x1400  }
0x21: {  	[sflag:s24] =	ssyncset.done $0x0  }
0x22: {  	[sflag:s24] =	ssyncadd.s32 $0xFFFFEC00  }
0x23: {  	_ =	swait.ge [sflag:s5], $0x1400  }
0x24: {  	[sflag:s5] =	ssyncset.done $0x0  }
0x25: {  	[sflag:s5] =	ssyncadd.s32 $0xFFFFEC00  }
0x26: {  	_ =	swait.ge [sflag:s8], $0x1400  }
0x27: {  	[sflag:s8] =	ssyncset.done $0x0  }
0x28: {  	[sflag:s8] =	ssyncadd.s32 $0xFFFFEC00  }
0x29: {  	_ =	swait.ge [sflag:s9], $0x1400  }
0x2a: {  	[sflag:s9] =	ssyncset.done $0x0  }
0x2b: {  	s11 =	stileid.u32;
	[sflag:s9] =	ssyncadd.s32 $0xFFFFEC00  }
0x2c: {  	s12 =	sshrl.u32 s6, $0x3;
	s11 =	sshll.u32 s11, $0x6;
	[bflag:$0x0] =	sbarrier.arrive $0xFFFF  }
0x2d: {  	s14 =	simm.s32 $0x10;
	s11 =	sor.u32 $0x1C0C, s11;
	s15 =	rddreg [dreg:$0x5]  }
0x2e: {  	[hbm:s15@s14], [sflag:s11] =	dma.strided [spmem:s12@s5], $0x1400, s29, $0x8   }
0x2f: {  	_ =	swait.ge [sflag:s17], $0x1400  }
0x30: {  	s10 =	sadd.s32 $0x1, s10;
	s18 =	rddreg [dreg:$0x6]  }
0x31: {  	p0 =	sne.s32 s10, s18  }
.Ltmp1:
0x32: {  	_ = 	snop;
	(pc) =	sbr.rel @!p0 .LBB2_7-.Ltmp1, $3  }
0x33: {  	_ =	sdelay $0x1  }
0x34: {  	[sflag:s17] =	ssyncset.done $0x0  }
0x35: {  	s14 =	simm.s32 $0x4E20;
	[sflag:s17] =	ssyncadd.s32 $0xFFFFEC00  }
.LBB2_1:
0x36: {  	[tilespmem:s4], [sflag:$0xC] =	stream.linear.gather [hbm4b:s16+s4], $0x4E20, $0x38;
	[tilespmem:$0x1B440] =	vst v63  }
0x37: {  	_ =	swait.ge [sflag:s17], $0x4E20  }
0x38: {  	[sflag:s17] =	ssyncset.done $0x0  }
0x39: {  	s11 =	rddreg [dreg:$0x4];
	[sflag:s17] =	ssyncadd.s32 $0xFFFFB1E0  }
0x3a: {  	[tilespmem:s14], [sflag:$0xC] =	stream.linear.gather [hbm4b:s11+s4], $0x4E20, $0x38;
	[tilespmem:$0x1B440] =	vst v63  }
0x3b: {  	_ =	swait.ge [sflag:s17], $0x4E20  }
0x3c: {  	[sflag:s17] =	ssyncset.done $0x0  }
0x3d: {  	[sflag:s17] =	ssyncadd.s32 $0xFFFFB1E0  }
0x3e: {  	[tilespmem:s20], [sflag:$0x1] =	stream.indirect.gather [hbm4b:s1+s19], $0x40, s4, s19, $0xb8;
	[tilespmem:$0x1B440] =	vst v63  }
0x3f: {  	_ = 	snop  }
0x40: {  	[tilespmem:s21], [sflag:$0x2] =	stream.indirect.gather [hbm4b:s1+s19], $0x40, s19, s19, $0xb8;
	[tilespmem:$0x1B440] =	vst v63  }
0x41: {  	s15 =	simm.s32 $0xA0  }
0x42: {  	[tilespmem:s23], [sflag:$0x3] =	stream.indirect.gather [hbm4b:s1+s19], $0x40, s15, s19, $0xb8;
	[tilespmem:$0x1B440] =	vst v63  }
0x43: {  	s18 =	simm.s32 $0xF0;
	s12 =	simm.s32 $0x100;
	s11 =	simm.s32 $0x0  }
0x44: {  	[tilespmem:s25], [sflag:$0x4] =	stream.indirect.gather [hbm4b:s1+s19], $0x40, s18, s19, $0xb8;
	[tilespmem:$0x1B440] =	vst v63  }
.LBB2_2:
0x45: {  	p0 =	sne.s32 s12, $0x4F00;
	[tilespmem:s11+$0x10070] =	vst v0;
	s13 =	smov.u32 s12;
	s12 =	sadd.s32 $0x100, s12  }
.Ltmp2:
0x46: {  	[tilespmem:s11+$0x10060] =	vst v0;
	(pc) =	sbr.rel @p0 .LBB2_2-.Ltmp2, $3  }
0x47: {  	[tilespmem:s11+$0x10040] =	vst v0  }
0x48: {  	[tilespmem:s11+$0x10050] =	vst v0;
	_ =	sdelay $0x1  }
0x49: {  	s11 =	sshra.s32 s13, $0x2  }
0x4a: {  	[tilespmem:s11+$0x10070] =	vst v0  }
0x4b: {  	[tilespmem:s11+$0x10060] =	vst v0  }
0x4c: {  	[tilespmem:s11+$0x10040] =	vst v0  }
0x4d: {  	[tilespmem:s11+$0x10050] =	vst v0  }
0x4e: {  	[spmem:s6] =	stream.linear.scatter [tilespmem:s26], [sflag:$0xB], $0x1400, $0x38;
	[tilespmem:$0x1B440] =	vst v63  }
0x4f: {  	s15 =	rddreg [dreg:$0x7]  }
0x50: {  	[spmem:s15] =	stream.linear.scatter [tilespmem:s26], [sflag:$0xB], $0x1400, $0x38;
	[tilespmem:$0x1B440] =	vst v63  }
0x51: {  	s18 =	rddreg [dreg:$0x8]  }
0x52: {  	[spmem:s18] =	stream.linear.scatter [tilespmem:s26], [sflag:$0xB], $0x1400, $0x38;
	[tilespmem:$0x1B440] =	vst v63  }
0x53: {  	s12 =	rddreg [dreg:$0x9]  }
0x54: {  	[spmem:s12] =	stream.linear.scatter [tilespmem:s26], [sflag:$0xB], $0x1400, $0x38;
	[tilespmem:$0x1B440] =	vst v63  }
0x55: {  	s13 =	rddreg [dreg:$0xa]  }
0x56: {  	[spmem:s13] =	stream.linear.scatter [tilespmem:s26], [sflag:$0xB], $0x1400, $0x38;
	[tilespmem:$0x1B440] =	vst v63  }
0x57: {  	s15 =	rddreg [dreg:$0xb]  }
0x58: {  	[spmem:s15] =	stream.linear.scatter [tilespmem:s26], [sflag:$0xB], $0x1400, $0x38;
	[tilespmem:$0x1B440] =	vst v63  }
0x59: {  	s18 =	rddreg [dreg:$0xc]  }
0x5a: {  	[spmem:s18] =	stream.linear.scatter [tilespmem:s26], [sflag:$0xB], $0x1400, $0x38;
	[tilespmem:$0x1B440] =	vst v63  }
0x5b: {  	s12 =	rddreg [dreg:$0xd]  }
0x5c: {  	[spmem:s12] =	stream.linear.scatter [tilespmem:s26], [sflag:$0xB], $0x1400, $0x38;
	[tilespmem:$0x1B440] =	vst v63  }
0x5d: {  	_ =	swait.ge [sflag:s28], $0x1400  }
0x5e: {  	[sflag:s28] =	ssyncset.done $0x0  }
0x5f: {  	[sflag:s28] =	ssyncadd.s32 $0xFFFFEC00  }
0x60: {  	_ =	swait.ge [sflag:s28], $0x1400  }
0x61: {  	[sflag:s28] =	ssyncset.done $0x0  }
0x62: {  	[sflag:s28] =	ssyncadd.s32 $0xFFFFEC00  }
0x63: {  	_ =	swait.ge [sflag:s28], $0x1400  }
0x64: {  	[sflag:s28] =	ssyncset.done $0x0  }
0x65: {  	[sflag:s28] =	ssyncadd.s32 $0xFFFFEC00  }
0x66: {  	_ =	swait.ge [sflag:s28], $0x1400  }
0x67: {  	[sflag:s28] =	ssyncset.done $0x0  }
0x68: {  	[sflag:s28] =	ssyncadd.s32 $0xFFFFEC00  }
0x69: {  	_ =	swait.ge [sflag:s28], $0x1400  }
0x6a: {  	[sflag:s28] =	ssyncset.done $0x0  }
0x6b: {  	[sflag:s28] =	ssyncadd.s32 $0xFFFFEC00  }
0x6c: {  	_ =	swait.ge [sflag:s28], $0x1400  }
0x6d: {  	[sflag:s28] =	ssyncset.done $0x0  }
0x6e: {  	[sflag:s28] =	ssyncadd.s32 $0xFFFFEC00  }
0x6f: {  	_ =	swait.ge [sflag:s28], $0x1400  }
0x70: {  	[sflag:s28] =	ssyncset.done $0x0  }
0x71: {  	[sflag:s28] =	ssyncadd.s32 $0xFFFFEC00  }
0x72: {  	_ =	swait.ge [sflag:s28], $0x1400  }
0x73: {  	[sflag:s28] =	ssyncset.done $0x0  }
0x74: {  	[sflag:s28] =	ssyncadd.s32 $0xFFFFEC00  }
0x75: {  	[bflag:$0x0] =	sbarrier.arrive $0xFFFF  }
0x76: {  	_ =	swait.ge [sflag:s29], $0x1400  }
0x77: {  	[sflag:s29] =	ssyncset.done $0x0  }
0x78: {  	[sflag:s29] =	ssyncadd.s32 $0xFFFFEC00  }
0x79: {  	[spmem:s3] =	stream.indirect.scatter.add.f32 [tilespmem:s20], [sflag:$0x6], $0x40, s14, s19, $0xb8;
	[tilespmem:$0x1B440] =	vst v63  }
0x7a: {  	s13 =	simm.s32 $0x140  }
0x7b: {  	[tilespmem:s31], [sflag:$0x5] =	stream.indirect.gather [hbm4b:s1+s19], $0x40, s13, s19, $0xb8;
	[tilespmem:$0x1B440] =	vst v63  }
0x7c: {  	_ =	swait.ge [sflag:s0], $0x1400  }
0x7d: {  	[sflag:s0] =	ssyncset.done $0x0  }
0x7e: {  	s14 =	simm.s32 $0x4E70;
	[sflag:s0] =	ssyncadd.s32 $0xFFFFEC00  }
0x7f: {  	[spmem:s3] =	stream.indirect.scatter.add.f32 [tilespmem:s21], [sflag:$0x7], $0x40, s14, s19, $0xb8;
	[tilespmem:$0x1B440] =	vst v63  }
0x80: {  	_ =	swait.ge [sflag:s22], $0x1400  }
0x81: {  	[sflag:s22] =	ssyncset.done $0x0  }
0x82: {  	s15 =	simm.s32 $0x190;
	[sflag:s22] =	ssyncadd.s32 $0xFFFFEC00  }
0x83: {  	[tilespmem:s20], [sflag:$0x1] =	stream.indirect.gather [hbm4b:s1+s19], $0x40, s15, s19, $0xb8;
	[tilespmem:$0x1B440] =	vst v63  }
0x84: {  	_ =	swait.ge [sflag:s30], $0x1400  }
0x85: {  	[sflag:s30] =	ssyncset.done $0x0  }
0x86: {  	s18 =	simm.s32 $0x4EC0;
	[sflag:s30] =	ssyncadd.s32 $0xFFFFEC00  }
0x87: {  	[spmem:s3] =	stream.indirect.scatter.add.f32 [tilespmem:s23], [sflag:$0x8], $0x40, s18, s19, $0xb8;
	[tilespmem:$0x1B440] =	vst v63  }
0x88: {  	_ =	swait.ge [sflag:s24], $0x1400  }
0x89: {  	[sflag:s24] =	ssyncset.done $0x0  }
0x8a: {  	s12 =	simm.s32 $0x1E0;
	[sflag:s24] =	ssyncadd.s32 $0xFFFFEC00  }
0x8b: {  	[tilespmem:s21], [sflag:$0x2] =	stream.indirect.gather [hbm4b:s1+s19], $0x40, s12, s19, $0xb8;
	[tilespmem:$0x1B440] =	vst v63  }
0x8c: {  	_ =	swait.ge [sflag:s2], $0x1400  }
0x8d: {  	[sflag:s2] =	ssyncset.done $0x0  }
0x8e: {  	s13 =	simm.s32 $0x4F10;
	[sflag:s2] =	ssyncadd.s32 $0xFFFFEC00  }
0x8f: {  	[spmem:s3] =	stream.indirect.scatter.add.f32 [tilespmem:s25], [sflag:$0x9], $0x40, s13, s19, $0xb8;
	[tilespmem:$0x1B440] =	vst v63  }
0x90: {  	_ =	swait.ge [sflag:s5], $0x1400  }
0x91: {  	[sflag:s5] =	ssyncset.done $0x0  }
0x92: {  	s14 =	simm.s32 $0x230;
	[sflag:s5] =	ssyncadd.s32 $0xFFFFEC00  }
0x93: {  	[tilespmem:s23], [sflag:$0x3] =	stream.indirect.gather [hbm4b:s1+s19], $0x40, s14, s19, $0xb8;
	[tilespmem:$0x1B440] =	vst v63  }
0x94: {  	_ =	swait.ge [sflag:s7], $0x1400  }
0x95: {  	[sflag:s7] =	ssyncset.done $0x0  }
0x96: {  	s15 =	simm.s32 $0x4F60;
	[sflag:s7] =	ssyncadd.s32 $0xFFFFEC00  }
0x97: {  	[spmem:s3] =	stream.indirect.scatter.add.f32 [tilespmem:s31], [sflag:$0xA], $0x40, s15, s19, $0xb8;
	[tilespmem:$0x1B440] =	vst v63  }
0x98: {  	_ =	swait.ge [sflag:s8], $0x1400  }
0x99: {  	[sflag:s8] =	ssyncset.done $0x0  }
0x9a: {  	s11 =	simm.s32 $0x0;
	s18 =	simm.s32 $0x280;
	[sflag:s8] =	ssyncadd.s32 $0xFFFFEC00  }
0x9b: {  	[tilespmem:s25], [sflag:$0x4] =	stream.indirect.gather [hbm4b:s1+s19], $0x40, s18, s19, $0xb8;
	[tilespmem:$0x1B440] =	vst v63  }
.LBB2_4:
0x9c: {  	_ =	swait.ge [sflag:s29], $0x1400  }
0x9d: {  	s12 =	sshra.s32 s11, $0x2;
	[sflag:s29] =	ssyncset.done $0x0  }
0x9e: {  	s13 =	sadd.s32 $0x4FB0, s12;
	[sflag:s29] =	ssyncadd.s32 $0xFFFFEC00  }
0x9f: {  	[spmem:s3] =	stream.indirect.scatter.add.f32 [tilespmem:s20], [sflag:$0x6], $0x40, s13, s19, $0xb8;
	[tilespmem:$0x1B440] =	vst v63  }
0xa0: {  	_ =	swait.ge [sflag:s9], $0x1400  }
0xa1: {  	[sflag:s9] =	ssyncset.done $0x0  }
0xa2: {  	s14 =	sadd.s32 $0x2D0, s12;
	[sflag:s9] =	ssyncadd.s32 $0xFFFFEC00  }
0xa3: {  	[tilespmem:s31], [sflag:$0x5] =	stream.indirect.gather [hbm4b:s1+s19], $0x40, s14, s19, $0xb8;
	[tilespmem:$0x1B440] =	vst v63  }
0xa4: {  	_ =	swait.ge [sflag:s0], $0x1400  }
0xa5: {  	p0 =	seq.s32 s11, $0x12C00;
	[sflag:s0] =	ssyncset.done $0x0  }
0xa6: {  	s15 =	sadd.s32 $0x5000, s12;
	s13 =	simm.s32 @p0 $0x3;
	[sflag:s0] =	ssyncadd.s32 $0xFFFFEC00  }
0xa7: {  	[spmem:s3] =	stream.indirect.scatter.add.f32 [tilespmem:s21], [sflag:$0x7], $0x40, s15, s19, $0xb8;
	[tilespmem:$0x1B440] =	vst v63  }
0xa8: {  	_ =	swait.ge @p0 [sflag:s13], $0x1400  }
0xa9: {  	[sflag:s13] =	ssyncset.done @p0 $0x0  }
0xaa: {  	[sflag:s13] =	ssyncadd.s32 @p0 $0xFFFFEC00;
	s13 =	sshra.s32 @p0 s11, $0x2  }
0xab: {  	s18 =	simm.s32 @p0 $0x50;
	s14 =	simm.s32 @p0 $0xC440;
	s13 =	sadd.s32 @p0 $0x5050, s13  }
0xac: {  	[spmem:s3] =	stream.indirect.scatter.add.f32 @p0 [tilespmem:s14], [sflag:$0x8], $0x40, s13, s18, $0xb8;
	[tilespmem:$0x1B440] =	vst v63  }
0xad: {  	s13 =	simm.s32 @!p0 $0x6  }
0xae: {  	_ =	swait.ge @!p0 [sflag:s13], $0x1400  }
0xaf: {  	[sflag:s13] =	ssyncset.done @!p0 $0x0  }
0xb0: {  	[sflag:s13] =	ssyncadd.s32 @!p0 $0xFFFFEC00;
	s13 =	sshra.s32 @!p0 s11, $0x2  }
0xb1: {  	s15 =	simm.s32 @!p0 $0x9C40;
	s18 =	simm.s32 @!p0 $0x50;
	s14 =	sadd.s32 @!p0 $0x320, s13  }
0xb2: {  	[tilespmem:s15], [sflag:$0x1] =	stream.indirect.gather @!p0 [hbm4b:s1+s18], $0x40, s14, s18, $0xb8;
	[tilespmem:$0x1B440] =	vst v63  }
0xb3: {  	s14 =	simm.s32 @!p0 $0x3  }
0xb4: {  	_ =	swait.ge @!p0 [sflag:s14], $0x1400  }
0xb5: {  	[sflag:s14] =	ssyncset.done @!p0 $0x0  }
0xb6: {  	s15 =	simm.s32 @!p0 $0xC440;
	[sflag:s14] =	ssyncadd.s32 @!p0 $0xFFFFEC00;
	s14 =	sadd.s32 @!p0 $0x5050, s13  }
0xb7: {  	[spmem:s3] =	stream.indirect.scatter.add.f32 @!p0 [tilespmem:s15], [sflag:$0x8], $0x40, s14, s18, $0xb8;
	[tilespmem:$0x1B440] =	vst v63  }
0xb8: {  	s14 =	simm.s32 @!p0 $0x7  }
0xb9: {  	_ =	swait.ge @!p0 [sflag:s14], $0x1400  }
0xba: {  	[sflag:s14] =	ssyncset.done @!p0 $0x0  }
0xbb: {  	s13 =	sadd.s32 @!p0 $0x370, s13;
	[sflag:s14] =	ssyncadd.s32 @!p0 $0xFFFFEC00;
	s14 =	simm.s32 @!p0 $0xB040  }
0xbc: {  	[tilespmem:s14], [sflag:$0x2] =	stream.indirect.gather @!p0 [hbm4b:s1+s18], $0x40, s13, s18, $0xb8;
	[tilespmem:$0x1B440] =	vst v63  }
.Ltmp3:
0xbd: {  	_ = 	snop;
	(pc) =	sbr.rel @p0 .LBB2_6-.Ltmp3, $4  }
0xbe: {  	_ =	swait.ge [sflag:s2], $0x1400  }
0xbf: {  	[sflag:s2] =	ssyncset.done $0x0  }
0xc0: {  	s18 =	sadd.s32 $0x50A0, s12;
	s13 =	sadd.s32 $0x50F0, s12;
	[sflag:s2] =	ssyncadd.s32 $0xFFFFEC00  }
0xc1: {  	[spmem:s3] =	stream.indirect.scatter.add.f32 [tilespmem:s25], [sflag:$0x9], $0x40, s18, s19, $0xb8;
	[tilespmem:$0x1B440] =	vst v63  }
0xc2: {  	_ =	swait.ge [sflag:s5], $0x1400  }
0xc3: {  	[sflag:s5] =	ssyncset.done $0x0  }
0xc4: {  	s14 =	sadd.s32 $0x3C0, s12;
	[sflag:s5] =	ssyncadd.s32 $0xFFFFEC00  }
0xc5: {  	[tilespmem:s23], [sflag:$0x3] =	stream.indirect.gather [hbm4b:s1+s19], $0x40, s14, s19, $0xb8;
	[tilespmem:$0x1B440] =	vst v63  }
0xc6: {  	_ =	swait.ge [sflag:s7], $0x1400  }
0xc7: {  	[sflag:s7] =	ssyncset.done $0x0  }
0xc8: {  	[sflag:s7] =	ssyncadd.s32 $0xFFFFEC00  }
0xc9: {  	[spmem:s3] =	stream.indirect.scatter.add.f32 [tilespmem:s31], [sflag:$0xA], $0x40, s13, s19, $0xb8;
	[tilespmem:$0x1B440] =	vst v63  }
.Ltmp4:
0xca: {  	_ = 	snop;
	(pc) =	sbr.rel .LBB2_4-.Ltmp4, $4  }
0xcb: {  	_ =	swait.ge [sflag:s8], $0x1400  }
0xcc: {  	[sflag:s8] =	ssyncset.done $0x0  }
0xcd: {  	s18 =	sadd.s32 $0x410, s12;
	s11 =	sadd.s32 $0x640, s11;
	[sflag:s8] =	ssyncadd.s32 $0xFFFFEC00  }
0xce: {  	[tilespmem:s25], [sflag:$0x4] =	stream.indirect.gather [hbm4b:s1+s19], $0x40, s18, s19, $0xb8;
	[tilespmem:$0x1B440] =	vst v63  }
.LBB2_7:
0xcf: {  	_ =	sfence.sel $0x180000  }
0xd0: {  	[bflag:$0x0] =	sbarrier.arrive $0xFFFF  }
0xd1: {  	_ =	strace $0x9000004D  }
0xd2: {  	s0 =	stileid.u32;
	[bflag:$0x2] =	sbarrier.arrive $0xFFFF  }
0xd3: {  	p0 =	sne.s32 s0, $0x0;
	s0 =	rddreg [dreg:$0x3]  }
0xd4: {  	s0 =	sadd.s32 @!p0 $0x100000, s0  }
0xd5: {  	[sflag:s0] =	ssyncadd.tile.s32 @!p0 $0x1;
	_ =	shalt  }
.Lfunc_end2:
_tile_overlayer_lowered:
.L_overlay_start_2:
0xd6: {  	(tag) =	ssettag $0x2  }
0xd7: {  	s0 =	rddreg [dreg:$0x0];
	s2 =	stileid.u32  }
0xd8: {  	s1 =	rddreg [dreg:$0x1];
	p0 =	sne.s32 s2, $0x0  }
0xd9: {  	s3 =	rddreg [dreg:$0x2];
	[bflag:$0x3] =	sbarrier.arrive $0xFFFF;
	s2 =	simm.s32 @!p0 $0x1C0C  }
0xda: {  	[timem:s3], [sflag:s2] =	dma.local @!p0 [hbm:s0], s1  }
0xdb: {  	s0 =	simm.s32 @!p0 $0xC  }
0xdc: {  	_ =	swait.ge @!p0 [sflag:s0], s1  }
0xdd: {  	s1 =	ssub.s32 @!p0 $0x0, s1;
	[sflag:s0] =	ssyncset.done @!p0 $0x0  }
0xde: {  	[sflag:s0] =	ssyncadd.s32 @!p0 s1  }
0xdf: {  	[bflag:$0x3] =	sbarrier.arrive $0xFFFF  }
0xe0: {  	_ =	shalt  }

// kernel: kernel.8.cloned.1.call-start
scs
__scs_entry_jumppad:
0x0: {  	(pc) =	sbr.rel $0x88, $3  }
0x1: {  	(tag) =	ssettag $0x0;
	lr =	simm.s32 $0x1  }
0x2: {  	[smem:$0x3F99] =	sst lr;
	_ =	strace $0xD0000000  }
0x3: {  	_ = 	snop  }
0x4: {  	_ = 	snop  }
0x5: {  	_ = 	snop  }
0x6: {  	_ = 	snop  }
0x7: {  	_ = 	snop  }
__scs_overlays_trampoline_lowered:
0x8: {  	[smem:$0x3FA8] =	sst s0  }
0x9: {  	[smem:$0x3FA9] =	sst s1  }
0xa: {  	[smem:$0x3FAA] =	sst s2  }
0xb: {  	[smem:$0x3FAB] =	sst s3  }
0xc: {  	[smem:$0x3FAC] =	sst s4  }
0xd: {  	[smem:$0x3FAD] =	sst s5  }
0xe: {  	[smem:$0x3FAE] =	sst s6  }
0xf: {  	[smem:$0x3FAF] =	sst s7  }
0x10: {  	[smem:$0x3FB0] =	sst s8  }
0x11: {  	[smem:$0x3FB1] =	sst s9;
	s0 =	simm.s32 @!p0 $0x0  }
0x12: {  	s1 =	sld [smem:$0x3F97];
	s0 =	simm.s32 @p0 $0x1  }
0x13: {  	[smem:$0x3FB2] =	sst s0;
	s0 =	simm.s32 @!p1 $0x0  }
0x14: {  	s2 =	sld [smem:$0x3F96];
	s0 =	simm.s32 @p1 $0x1  }
0x15: {  	[smem:$0x3FB3] =	sst s0;
	s0 =	simm.s32 @!p2 $0x0  }
0x16: {  	s3 =	sld [smem:$0x3FDB];
	s0 =	simm.s32 @p2 $0x1  }
0x17: {  	s4 =	simm.s32 $0x1BF5;
	[smem:$0x3FB5] =	sst s0  }
0x18: {  	s0 =	sld [smem:$0x3F98];
	_ =	swait.ge [sflag:s4], $0x0  }
0x19: {  	s7 =	sld [smem:$0x3F99]  }
0x1a: {  	s8 =	sadd.s32 $0xFFFFE003, lr  }
0x1b: {  	s9 =	sadd.s32 $0xFFFFFEF7, lr;
	s5 =	simm.s32 $0xFFFFFFFF;
	p2 =	slt.u32 s8, $0xFFFFF086  }
0x1c: {  	p1 =	slt.u32 s9, $0xF7A;
	s5 =	simm.s32 @!p2 $0x0  }
0x1d: {  	s5 =	simm.s32 @p1 $0x1;
	p0 =	seq.s32 s7, s2  }
0x1e: {  	s7 =	smul.u32 @!p0 $0xF7A, s2;
	p2 =	seq.s32 @!p0 s5, $0x0  }
0x1f: {  	s9 =	smul.u32 $0xF7A, s1;
	s8 =	simm.s32 @!p0 $0x1BF5;
	p2 =	por !p2, p0  }
0x20: {  	[sflag:s8] =	ssyncset.s32 @!p0 $0xFFFFF086;
	s6 =	sadd.s32 @!p0 s3, s7;
	s7 =	simm.s32 @!p0 $0x108  }
0x21: {  	s3 =	sadd.s32 s3, s9;
	s6 =	sadd.s32 @!p0 $0x88, s6;
	s7 =	simm.s32 @p2 $0x1082  }
0x22: {  	[simem:s7], [sflag:s8] =	dma.local @!p0 [hbm:s6], $0xF7A  }
0x23: {  	s9 =	sor.u32 $0xD0000000, s2;
	s6 =	simm.s32 $0x108;
	_ =	swait.ge @!p0 [sflag:s8], $0x0  }
0x24: {  	s3 =	sadd.s32 $0x88, s3;
	s6 =	simm.s32 @!p1 $0x1082;
	[sflag:s4] =	ssyncset.s32 $0xFFFFF086  }
0x25: {  	[simem:s6], [sflag:s4] =	dma.local [hbm:s3], $0xF7A  }
0x26: {  	[smem:$0x3F99] =	sst s1;
	(tag) =	ssettag s2;
	_ =	strace s9  }
0x27: {  	s1 =	sld [smem:$0x3FA9]  }
0x28: {  	s2 =	sld [smem:$0x3FAA]  }
0x29: {  	s4 =	sld [smem:$0x3FAC]  }
0x2a: {  	p0 =	seq.s32 s5, $0x0;
	s5 =	sld [smem:$0x3FAD]  }
0x2b: {  	s6 =	sld [smem:$0x3FAE]  }
0x2c: {  	s7 =	sld [smem:$0x3FAF]  }
0x2d: {  	s3 =	simm.s32 $0x108;
	s8 =	sld [smem:$0x3FB0]  }
0x2e: {  	s3 =	simm.s32 @!p0 $0x1082;
	s9 =	sld [smem:$0x3FB1]  }
0x2f: {  	lr =	sadd.s32 s0, s3;
	s0 =	sld [smem:$0x3FA8]  }
0x30: {  	s3 =	sld [smem:$0x3FAB]  }
0x31: {  	[smem:$0x3FB4] =	sst s10  }
0x32: {  	s10 =	sld [smem:$0x3FB2];
	_ =	sdelay $0x3  }
0x33: {  	p0 =	seq.s32 s10, $0x1;
	s10 =	sld [smem:$0x3FB4];
	_ =	sdelay $0x3  }
0x34: {  	[smem:$0x3FB4] =	sst s10  }
0x35: {  	s10 =	sld [smem:$0x3FB3];
	_ =	sdelay $0x3  }
0x36: {  	p1 =	seq.s32 s10, $0x1;
	s10 =	sld [smem:$0x3FB4];
	_ =	sdelay $0x3  }
0x37: {  	[smem:$0x3FB4] =	sst s10  }
0x38: {  	s10 =	sld [smem:$0x3FB5]  }
0x39: {  	_ = 	snop;
	(pc) =	sbr.ind lr, $3  }
0x3a: {  	_ = 	snop  }
0x3b: {  	_ = 	snop  }
0x3c: {  	p2 =	seq.s32 s10, $0x1;
	s10 =	sld [smem:$0x3FB4]  }
0x3d: {  	_ =	shalt  }
0x3e: {  	_ =	shalt  }
0x3f: {  	_ =	shalt  }
0x40: {  	_ =	shalt  }
0x41: {  	_ =	shalt  }
0x42: {  	_ =	shalt  }
0x43: {  	_ =	shalt  }
0x44: {  	_ =	shalt  }
0x45: {  	_ =	shalt  }
0x46: {  	_ =	shalt  }
0x47: {  	_ =	shalt  }
0x48: {  	_ =	shalt  }
0x49: {  	_ =	shalt  }
0x4a: {  	_ =	shalt  }
0x4b: {  	_ =	shalt  }
0x4c: {  	_ =	shalt  }
0x4d: {  	_ =	shalt  }
0x4e: {  	_ =	shalt  }
0x4f: {  	_ =	shalt  }
0x50: {  	_ =	shalt  }
0x51: {  	_ =	shalt  }
0x52: {  	_ =	shalt  }
0x53: {  	_ =	shalt  }
0x54: {  	_ =	shalt  }
0x55: {  	_ =	shalt  }
0x56: {  	_ =	shalt  }
0x57: {  	_ =	shalt  }
0x58: {  	_ =	shalt  }
0x59: {  	_ =	shalt  }
0x5a: {  	_ =	shalt  }
0x5b: {  	_ =	shalt  }
0x5c: {  	_ =	shalt  }
0x5d: {  	_ =	shalt  }
0x5e: {  	_ =	shalt  }
0x5f: {  	_ =	shalt  }
0x60: {  	_ =	shalt  }
0x61: {  	_ =	shalt  }
0x62: {  	_ =	shalt  }
0x63: {  	_ =	shalt  }
0x64: {  	_ =	shalt  }
0x65: {  	_ =	shalt  }
0x66: {  	_ =	shalt  }
0x67: {  	_ =	shalt  }
0x68: {  	_ =	shalt  }
0x69: {  	_ =	shalt  }
0x6a: {  	_ =	shalt  }
0x6b: {  	_ =	shalt  }
0x6c: {  	_ =	shalt  }
0x6d: {  	_ =	shalt  }
0x6e: {  	_ =	shalt  }
0x6f: {  	_ =	shalt  }
0x70: {  	_ =	shalt  }
0x71: {  	_ =	shalt  }
0x72: {  	_ =	shalt  }
0x73: {  	_ =	shalt  }
0x74: {  	_ =	shalt  }
0x75: {  	_ =	shalt  }
0x76: {  	_ =	shalt  }
0x77: {  	_ =	shalt  }
0x78: {  	_ =	shalt  }
0x79: {  	_ =	shalt  }
0x7a: {  	_ =	shalt  }
0x7b: {  	_ =	shalt  }
0x7c: {  	_ =	shalt  }
0x7d: {  	_ =	shalt  }
0x7e: {  	_ =	shalt  }
0x7f: {  	_ =	shalt  }
0x80: {  	_ =	shalt  }
0x81: {  	_ =	shalt  }
0x82: {  	_ =	shalt  }
0x83: {  	_ =	shalt  }
0x84: {  	_ =	shalt  }
0x85: {  	_ =	shalt  }
0x86: {  	_ =	shalt  }
0x87: {  	_ =	shalt  }
.Lfunc_end0:
.L_simem_size_0:
called_computation_lowered:
.L_overlay_start_0:
0x88: {  	s2 =	sld [smem:$0x3FD9]  }
0x89: {  	s3 =	sld [smem:$0x3FFE];
	_ =	sdelay $0x1  }
0x8a: {  	s1 =	srdreg.scid  }
0x8b: {  	s0 =	sand.u32 $0x1, s1  }
0x8c: {  	s16 =	sshll.u32 s0, $0xA;
	s2 =	sadd.s32 s3, s2  }
0x8d: {  	s2 =	sadd.s32 s2, s16  }
0x8e: {  	[smem:$0x3FC0] =	sst s2  }
0x8f: {  	_ = 	snop  }
0x90: {  	(tm) =	ssettm $0x1  }
0x91: {  	s17 =	sld [smem:$0x3FFB];
	_ =	sdelay $0x3  }
0x92: {  	_ =	strace s17  }
0x93: {  	s2 =	sld [smem:$0x3FFC];
	_ =	sdelay $0x3  }
0x94: {  	_ =	strace s2  }
0x95: {  	s2 =	sld [smem:$0x3FFD];
	_ =	sdelay $0x3  }
0x96: {  	_ =	strace s2  }
0x97: {  	_ =	strace $0x8FFFFFFF  }
0x98: {  	s18 =	sld [smem:$0x3FDB];
	_ =	sdelay $0x1  }
0x99: {  	s19 =	simm.s32 $_scs_section_size  }
0x9a: {  	s4 =	simm.s32 $_size__tile_overlayer_lowered;
	s5 =	simm.s32 $_tile_overlayer_lowered  }
0x9b: {  	s22 =	simm.s32 $0x1BFF;
	s21 =	sshll.u32 s5, $0x1;
	s2 =	sadd.s32 s19, s18  }
0x9c: {  	s6 =	simm.s32 $0x0;
	s20 =	sshll.u32 s4, $0x1;
	s4 =	sadd.s32 s21, s2  }
0x9d: {  	[timem:s6], [sflag:s22] =	dma.local [hbm:s4], s20  }
0x9e: {  	_ =	swait.ge [sflag:s22], s20  }
0x9f: {  	s3 =	ssub.s32 $0x0, s20;
	[sflag:s22] =	ssyncset.done $0x0  }
0xa0: {  	[sflag:s22] =	ssyncadd.s32 s3;
	_ =	sdelay $0x1  }
0xa1: {  	s23 =	simm.s32 $0x1B8B  }
0xa2: {  	_ =	swait.ge [sflag:s23], $0x1  }
0xa3: {  	[sflag:s23] =	ssyncset.done $0x0  }
0xa4: {  	s25 =	simm.s32 $0x1B8E;
	s24 =	sld [smem:$0x3FFE];
	[sflag:s23] =	ssyncadd.s32 $0xFFFFFFFF  }
0xa5: {  	s26 =	simm.s32 $execute0_lowered;
	[smem:$0x3FD2] =	sst s25  }
0xa6: {  	s4 =	sshll.u32 s26, $0x1;
	_ =	strace $0x80000046;
	[dreg:$0x1] =	wrdreg $0xFFFFFFFF  }
0xa7: {  	s28 =	simm.s32 $_size_execute0_lowered;
	s2 =	sadd.s32 s2, s4;
	[dreg:$0x0] =	wrdreg $0x0  }
0xa8: {  	s4 =	sshll.u32 s28, $0x1;
	[dreg:$0x2] =	wrdreg s2  }
0xa9: {  	[dreg:$0x3] =	wrdreg s4  }
0xaa: {  	[dreg:$0x4] =	wrdreg $0xC0  }
0xab: {  	_ =	task [dreg:s6], $0x5FFFF  }
0xac: {  	[dreg:$0x1] =	wrdreg $0xFFFFFFFF  }
0xad: {  	[dreg:$0x0] =	wrdreg $0x60  }
0xae: {  	[dreg:$0x2] =	wrdreg s24  }
0xaf: {  	[dreg:$0x3] =	wrdreg $0x2C100  }
0xb0: {  	[dreg:$0x4] =	wrdreg $0x9  }
0xb1: {  	_ =	task.clear_ibuf [dreg:s6], $0x5FFFF;
	_ =	strace $0x90000046  }
0xb2: {  	s29 =	simm.s32 $0x9;
	_ =	strace $0x80000048  }
0xb3: {  	_ =	swait.ge [sflag:s29], $0x1  }
0xb4: {  	[sflag:s29] =	ssyncadd.s32 $0xFFFFFFFF  }
0xb5: {  	_ =	strace $0x90000048  }
0xb6: {  	_ =	sfence  }
0xb7: {  	s30 =	sld [smem:$0x0];
	_ =	sdelay $0x2  }
0xb8: {  	s31 =	sshll.u32 s1, $0xD;
	s1 =	sshrl.u32 s1, $0x2  }
0xb9: {  	s3 =	sand.u32 $0x4000, s31;
	s1 =	sadd.s32 s1, s30  }
0xba: {  	s0 =	sor.u32 s3, s0;
	s1 =	sshll.u32 s1, $0x11  }
0xbb: {  	s0 =	sor.u32 s1, s0  }
0xbc: {  	s0 =	sadd.s32 $0x8F2B, s0  }
0xbd: {  	[sflag:s0] =	ssyncadd.remote.s32 $0x1  }
0xbe: {  	_ =	sfence.sel $0xFFFF  }
0xbf: {  	[dreg:$0x0] =	wrdreg $0xFFFFFFFF;
	(pc) =	sbr.abs _section_cstart, $3  }
0xc0: {  	[dreg:$0x1] =	wrdreg $0xFFFFFFFF  }
0xc1: {  	_ =	task.clear_ibuf [dreg:s6], $0x2FFFF;
	_ =	strace $0x9FFFFFFF  }
0xc2: {  	(tm) =	ssettm $0x7FFFFFFF  }
0xc3: {  	_ =	shalt  }
tec
execute0_lowered:
.L_overlay_start_1:
0x0: {  	(tag) =	ssettag $0x1  }
0x1: {  	s1 =	srdreg.scid;
	s4 =	rddreg [dreg:$0x0]  }
0x2: {  	s0 =	stileid.u32;
	s2 =	rddreg [dreg:$0x1]  }
0x3: {  	s3 =	simm.s32 $0x0;
	s15 =	simm.s32 $0x2710;
	s16 =	simm.s32 $0x2  }
0x4: {  	s17 =	simm.s32 $0x50;
	s18 =	simm.s32 $0x1;
	s6 =	smul.u32 $0x4E20, s0  }
0x5: {  	s5 =	sand.u32 $0x1, s1;
	s1 =	rddreg [dreg:$0x2];
	s8 =	smul.u32 $0x14000, s0  }
0x6: {  	s21 =	simm.s32 $0x10;
	[smem:$0x7FF] =	sst s3;
	s29 =	smul.u32 $0xA000, s0  }
0x7: {  	s19 =	sshll.u32 s0, $0x6;
	s7 =	smul.u32 $0x2710, s5;
	s28 =	sshll.u32 s5, $0x6  }
0x8: {  	_ =	strace $0x80000047;
	s5 =	ssub.s32 $0x2, s5;
	s19 =	sor.u32 $0x1C02, s19  }
0x9: {  	s30 =	sshrl.u32 s5, $0x1;
	s6 =	sadd.s32 s7, s6;
	s7 =	sor.u32 s28, s8  }
0xa: {  	s31 =	sshrl.u32 s29, $0x2;
	s6 =	sshrl.u32 s6, $0x3;
	s7 =	sshrl.u32 s7, $0x3  }
0xb: {  	s9 =	ssub.s32 s5, s30;
	s6 =	sadd.s32 s6, s4;
	s7 =	sadd.s32 s7, s4  }
0xc: {  	s4 =	sadd.s32 $0x3400, s6;
	s5 =	sadd.s32 $0xD200, s7;
	s6 =	sadd.s32 s31, s2  }
0xd: {  	s7 =	smax.u32 s9, $0x1;
	s8 =	sadd.s32 $0x500, s6;
	s9 =	sadd.s32 $0xA00, s6  }
0xe: {  	s10 =	sadd.s32 $0xF00, s6;
	s11 =	sadd.s32 $0x1400, s6;
	s12 =	sadd.s32 $0x1900, s6  }
0xf: {  	v0 =	vimm.f32 $0.0e+00;
	v1 =	vimm.f32 $1.000000000e+00;
	s13 =	sadd.s32 $0x1E00, s6;
	s14 =	sadd.s32 $0x2300, s6;
	s20 =	sshrl.u32 s6, $0x3  }
.LBB2_1:
0x10: {  	s22 =	simm.s32 $0x40;
	s23 =	simm.s32 $0x0  }
.LBB2_2:
0x11: {  	p0 =	sne.s32 s22, $0x13C0;
	[tilespmem:s23+$0x2710] =	vst v0;
	s23 =	smov.u32 s22;
	s22 =	sadd.s32 $0x40, s22  }
.Ltmp0:
0x12: {  	(pc) =	sbr.rel @p0 .LBB2_2-.Ltmp0, $2  }
0x13: {  	_ =	sdelay $0x2  }
0x14: {  	s23 =	sshra.s32 s23, $0x2  }
0x15: {  	[tilespmem:s23+$0x2710] =	vst v0  }
0x16: {  	[spmem:s6] =	stream.linear.scatter [tilespmem:s15], [sflag:$0x2], $0x500, $0x38;
	[tilespmem:$0x5410] =	vst v63  }
0x17: {  	_ =	swait.ge [sflag:s16], $0x500  }
0x18: {  	[sflag:s16] =	ssyncset.done $0x0  }
0x19: {  	[sflag:s16] =	ssyncadd.s32 $0xFFFFFB00  }
0x1a: {  	[spmem:s8] =	stream.linear.scatter [tilespmem:s15], [sflag:$0x2], $0x500, $0x38;
	[tilespmem:$0x5410] =	vst v63  }
0x1b: {  	_ =	swait.ge [sflag:s16], $0x500  }
0x1c: {  	[sflag:s16] =	ssyncset.done $0x0  }
0x1d: {  	[sflag:s16] =	ssyncadd.s32 $0xFFFFFB00  }
0x1e: {  	[spmem:s9] =	stream.linear.scatter [tilespmem:s15], [sflag:$0x2], $0x500, $0x38;
	[tilespmem:$0x5410] =	vst v63  }
0x1f: {  	_ =	swait.ge [sflag:s16], $0x500  }
0x20: {  	[sflag:s16] =	ssyncset.done $0x0  }
0x21: {  	[sflag:s16] =	ssyncadd.s32 $0xFFFFFB00  }
0x22: {  	[spmem:s10] =	stream.linear.scatter [tilespmem:s15], [sflag:$0x2], $0x500, $0x38;
	[tilespmem:$0x5410] =	vst v63  }
0x23: {  	_ =	swait.ge [sflag:s16], $0x500  }
0x24: {  	[sflag:s16] =	ssyncset.done $0x0  }
0x25: {  	[sflag:s16] =	ssyncadd.s32 $0xFFFFFB00  }
0x26: {  	[spmem:s11] =	stream.linear.scatter [tilespmem:s15], [sflag:$0x2], $0x500, $0x38;
	[tilespmem:$0x5410] =	vst v63  }
0x27: {  	_ =	swait.ge [sflag:s16], $0x500  }
0x28: {  	[sflag:s16] =	ssyncset.done $0x0  }
0x29: {  	[sflag:s16] =	ssyncadd.s32 $0xFFFFFB00  }
0x2a: {  	[spmem:s12] =	stream.linear.scatter [tilespmem:s15], [sflag:$0x2], $0x500, $0x38;
	[tilespmem:$0x5410] =	vst v63  }
0x2b: {  	_ =	swait.ge [sflag:s16], $0x500  }
0x2c: {  	[sflag:s16] =	ssyncset.done $0x0  }
0x2d: {  	[sflag:s16] =	ssyncadd.s32 $0xFFFFFB00  }
0x2e: {  	[spmem:s13] =	stream.linear.scatter [tilespmem:s15], [sflag:$0x2], $0x500, $0x38;
	[tilespmem:$0x5410] =	vst v63  }
0x2f: {  	_ =	swait.ge [sflag:s16], $0x500  }
0x30: {  	[sflag:s16] =	ssyncset.done $0x0  }
0x31: {  	[sflag:s16] =	ssyncadd.s32 $0xFFFFFB00  }
0x32: {  	[spmem:s14] =	stream.linear.scatter [tilespmem:s15], [sflag:$0x2], $0x500, $0x38;
	[tilespmem:$0x5410] =	vst v63  }
0x33: {  	_ =	swait.ge [sflag:s16], $0x500  }
0x34: {  	[sflag:s16] =	ssyncset.done $0x0  }
0x35: {  	s22 =	simm.s32 $0x40;
	s23 =	simm.s32 $0x0;
	[sflag:s16] =	ssyncadd.s32 $0xFFFFFB00  }
.LBB2_4:
0x36: {  	p0 =	sne.s32 s22, $0x13C0;
	[tilespmem:s23+$0x2710] =	vst v1;
	s23 =	smov.u32 s22;
	s22 =	sadd.s32 $0x40, s22  }
.Ltmp1:
0x37: {  	(pc) =	sbr.rel @p0 .LBB2_4-.Ltmp1, $2  }
0x38: {  	_ =	sdelay $0x2  }
0x39: {  	s23 =	sshra.s32 s23, $0x2  }
0x3a: {  	[tilespmem:s23+$0x2710] =	vst v1;
	s22 =	simm.s32 $0x0  }
0x3b: {  	[tilespmem:s22], [sflag:$0x2] =	stream.linear.gather [hbm4b:s4+s22], $0x2710, $0x38;
	[tilespmem:$0x5410] =	vst v63  }
0x3c: {  	_ =	swait.ge [sflag:s16], $0x2710  }
0x3d: {  	[sflag:s16] =	ssyncset.done $0x0  }
0x3e: {  	[sflag:s16] =	ssyncadd.s32 $0xFFFFD8F0  }
0x3f: {  	[bflag:$0x0] =	sbarrier.arrive $0xFFFF  }
.LBB2_6:
0x40: {  	p0 =	sne.s32 s22, $0x9B00  }
.Ltmp2:
0x41: {  	_ = 	snop;
	(pc) =	sbr.rel @p0 .LBB2_6-.Ltmp2, $3  }
0x42: {  	_ =	sdelay $0x1  }
0x43: {  	s23 =	sshra.s32 s22, $0x2;
	s22 =	sadd.s32 $0x140, s22  }
0x44: {  	[spmem:s2] =	stream.indirect.scatter.add.f32 [tilespmem:s15], [sflag:$0x1], $0x10, s23, s17, $0xb8;
	[tilespmem:$0x5410] =	vst v63  }
0x45: {  	_ =	swait.ge [sflag:s18], $0x500  }
0x46: {  	s22 =	simm.s32 $0x7C;
	[sflag:s18] =	ssyncset.done $0x0  }
.LBB2_8:
0x47: {  	p0 =	sne.s32 s22, $0x1;
	s22 =	sadd.s32 $0xFFFFFFFF, s22;
	[sflag:s18] =	ssyncadd.s32 $0xFFFFFB00  }
.Ltmp3:
0x48: {  	(pc) =	sbr.rel @p0 .LBB2_8-.Ltmp3, $3  }
0x49: {  	_ =	sdelay $0x1  }
0x4a: {  	_ =	swait.ge [sflag:s18], $0x500  }
0x4b: {  	[sflag:s18] =	ssyncset.done $0x0  }
0x4c: {  	s3 =	sadd.s32 $0x1, s3  }
0x4d: {  	[sflag:s18] =	ssyncadd.s32 $0xFFFFFB00;
	p0 =	sne.s32 s3, s7  }
.Ltmp4:
0x4e: {  	[bflag:$0x0] =	sbarrier.arrive $0xFFFF;
	(pc) =	sbr.rel @p0 .LBB2_1-.Ltmp4, $4  }
0x4f: {  	[hbm:s5@s21], [sflag:s19] =	dma.strided [spmem:s20@s16], $0x500, s18, $0x2   }
0x50: {  	_ =	swait.ge [sflag:s16], $0x500  }
0x51: {  	[sflag:s16] =	ssyncset.done $0x0  }
0x52: {  	[sflag:s16] =	ssyncadd.s32 $0xFFFFFB00  }
0x53: {  	_ =	sfence.sel $0x180000  }
0x54: {  	[bflag:$0x0] =	sbarrier.arrive $0xFFFF  }
0x55: {  	p0 =	sne.s32 s0, $0x0;
	_ =	strace $0x90000047  }
0x56: {  	s0 =	sadd.s32 @!p0 $0x100000, s1;
	[bflag:$0x2] =	sbarrier.arrive $0xFFFF  }
0x57: {  	[sflag:s0] =	ssyncadd.tile.s32 @!p0 $0x1;
	_ =	shalt  }
.Lfunc_end2:
_tile_overlayer_lowered:
.L_overlay_start_2:
0x58: {  	(tag) =	ssettag $0x2  }
0x59: {  	s0 =	rddreg [dreg:$0x0];
	s2 =	stileid.u32  }
0x5a: {  	s1 =	rddreg [dreg:$0x1];
	p0 =	sne.s32 s2, $0x0  }
0x5b: {  	s3 =	rddreg [dreg:$0x2];
	[bflag:$0x3] =	sbarrier.arrive $0xFFFF;
	s2 =	simm.s32 @!p0 $0x1C02  }
0x5c: {  	[timem:s3], [sflag:s2] =	dma.local @!p0 [hbm:s0], s1  }
0x5d: {  	s0 =	simm.s32 @!p0 $0x2  }
0x5e: {  	_ =	swait.ge @!p0 [sflag:s0], s1  }
0x5f: {  	s1 =	ssub.s32 @!p0 $0x0, s1;
	[sflag:s0] =	ssyncset.done @!p0 $0x0  }
0x60: {  	[sflag:s0] =	ssyncadd.s32 @!p0 s1  }
0x61: {  	[bflag:$0x3] =	sbarrier.arrive $0xFFFF  }
0x62: {  	_ =	shalt  }

</sc_bundles>
